<compile_context>
chip_gen: v7x
topology: tpu7x:2x2x1
jax: 0.10.2.dev20260603
libtpu: 0.0.44.dev20260713+nightly
codegen_flags: <defaults>
</compile_context>

<pallas_src>
import functools

import jax
import jax.numpy as jnp
from jax import lax
from jax.experimental import pallas as pl
from jax.experimental.pallas import tpu as pltpu, tpu_sc as plsc

N = 10000
E = 320000
D = 128
H = 128
EPS = 1e-5

NW = 32
CHUNK = 128
NCHUNK = 80
NC0 = 144
NC1 = 16
EPAD = NW * NCHUNK * CHUNK
TRASH = N
SLABG = 16
NPAD = 10240
RPT = NPAD // 16

_MESH = plsc.VectorSubcoreMesh(core_axis_name="c", subcore_axis_name="s")


@functools.partial(
    pl.kernel,
    out_type=jax.ShapeDtypeStruct((2 * NPAD,), jnp.float32),
    mesh=_MESH,
    scratch_types=[
        pltpu.VMEM((NCHUNK, CHUNK), jnp.int32),
        pltpu.VMEM((CHUNK,), jnp.float32),
        pltpu.VMEM_SHARED((NPAD,), jnp.float32),
    ],
)
def _sc_deg(dst_hbm, ones_hbm, zeros_hbm, out_hbm, dst_v, ones_v, deg_sh):
    cid = lax.axis_index("c")
    sid = lax.axis_index("s")
    wid = cid * 16 + sid
    pltpu.sync_copy(dst_hbm.at[pl.ds(wid * NCHUNK, NCHUNK)], dst_v)
    pltpu.sync_copy(ones_hbm, ones_v)
    pltpu.sync_copy(zeros_hbm, deg_sh.at[pl.ds(sid * RPT, RPT)])
    plsc.subcore_barrier()

    def body(j, carry):
        pltpu.sync_copy(ones_v, deg_sh.at[dst_v.at[j]], add=True)
        return carry

    lax.fori_loop(0, NCHUNK, body, 0)
    plsc.subcore_barrier()
    pltpu.sync_copy(deg_sh.at[pl.ds(sid * RPT, RPT)],
                    out_hbm.at[pl.ds(cid * NPAD + sid * RPT, RPT)])


@functools.partial(
    pl.kernel,
    out_type=jax.ShapeDtypeStruct((2, NPAD, H), jnp.float32),
    mesh=_MESH,
    scratch_types=[
        pltpu.VMEM((SLABG, CHUNK), jnp.int32),
        pltpu.VMEM((SLABG, CHUNK), jnp.int32),
        pltpu.VMEM((CHUNK, H), jnp.float32),
        pltpu.VMEM((CHUNK, H), jnp.float32),
        pltpu.VMEM_SHARED((NPAD, H), jnp.float32),
        pltpu.SemaphoreType.DMA,
        pltpu.SemaphoreType.DMA,
    ],
)
def _sc_agg(hw_hbm, src_hbm, dst_hbm, zeros_hbm, out_hbm,
            src_v, dst_v, r0, r1, agg_sh, gsem, ssem):
    cid = lax.axis_index("c")
    sid = lax.axis_index("s")
    nc = jnp.where(cid == 0, NC0, NC1)
    gbase = jnp.where(cid == 0, sid * NC0, 16 * NC0 + sid * NC1)
    pltpu.sync_copy(zeros_hbm, agg_sh.at[pl.ds(sid * RPT, RPT)])
    plsc.subcore_barrier()

    rows = (r0, r1)

    def stage(st, carry):
        pltpu.sync_copy(src_hbm.at[pl.ds(gbase + st * SLABG, SLABG)], src_v)
        pltpu.sync_copy(dst_hbm.at[pl.ds(gbase + st * SLABG, SLABG)], dst_v)
        pltpu.async_copy(hw_hbm.at[src_v.at[0]], r0, gsem)

        def pair(p, c2):
            for b in range(2):
                k = p * 2 + b
                pltpu.make_async_copy(hw_hbm.at[src_v.at[k]], rows[b],
                                      gsem).wait()
                pltpu.async_copy(rows[b], agg_sh.at[dst_v.at[k]], ssem,
                                 add=True)

                @pl.when(k >= 1)
                def _():
                    pltpu.make_async_copy(rows[1 - b],
                                          agg_sh.at[dst_v.at[k]], ssem).wait()

                @pl.when(k + 1 < SLABG)
                def _():
                    pltpu.async_copy(hw_hbm.at[src_v.at[k + 1]], rows[1 - b],
                                     gsem)
            return c2

        lax.fori_loop(0, SLABG // 2, pair, 0)
        pltpu.make_async_copy(r0, agg_sh.at[dst_v.at[0]], ssem).wait()
        return carry

    lax.fori_loop(0, nc // SLABG, stage, 0)
    plsc.subcore_barrier()
    pltpu.sync_copy(agg_sh.at[pl.ds(sid * RPT, RPT)],
                    out_hbm.at[cid, pl.ds(sid * RPT, RPT)])


def _tc0_body(x_ref, w_ref, hw_ref):
    hw_ref[...] = jnp.dot(x_ref[...], w_ref[...],
                          preferred_element_type=jnp.float32,
                          precision=jax.lax.Precision.HIGHEST)


def _tc1_body(hw_ref, degp_ref, hwp_ref, dis_ref):
    deg = degp_ref[pl.ds(0, N)] + degp_ref[pl.ds(NPAD, N)]
    dis = jax.lax.rsqrt(deg + 1.0).reshape(N, 1)
    dis_b = jnp.broadcast_to(dis, (N, H))
    hwp_ref[...] = hw_ref[...] * dis_b
    dis_ref[...] = dis_b


def _bn_relu(pre, g, be):
    m = jnp.mean(pre, axis=0, keepdims=True)
    c = pre - m
    v = jnp.mean(c * c, axis=0, keepdims=True)
    return jnp.maximum(c * jax.lax.rsqrt(v + EPS) * g + be, 0.0)


def _tc2_body(aggp_ref, hwp_ref, dis_ref, b_ref, g_ref, be_ref, w2_ref,
              out_ref):
    agg = aggp_ref[0, 0:N, :] + aggp_ref[1, 0:N, :] + hwp_ref[...]
    pre = agg * dis_ref[...] + b_ref[...]
    h = _bn_relu(pre, g_ref[...], be_ref[...])
    out_ref[...] = jnp.dot(
        h, w2_ref[...], preferred_element_type=jnp.float32, precision=jax.lax.Precision.HIGHEST) * dis_ref[...]


def _tc3_body(aggp_ref, hwp_ref, dis_ref, b_ref, g_ref, be_ref, wl_ref,
              bl_ref, out_ref):
    agg = aggp_ref[0, 0:N, :] + aggp_ref[1, 0:N, :] + hwp_ref[...]
    pre = agg * dis_ref[...] + b_ref[...]
    h = _bn_relu(pre, g_ref[...], be_ref[...])
    z = jnp.dot(h, wl_ref[...], preferred_element_type=jnp.float32, precision=jax.lax.Precision.HIGHEST)
    z = z + bl_ref[...]
    out_ref[...] = jax.nn.sigmoid(jnp.maximum(z, 0.0))


@jax.jit
def kernel(x, edge_index, W1, b1, g1, be1, W2, b2, g2, be2, Wl, bl):
    src = edge_index[0]
    dst = edge_index[1]
    pad = EPAD - E
    src_p = jnp.concatenate([src, jnp.zeros((pad,), jnp.int32)])
    dst_p = jnp.concatenate([dst, jnp.full((pad,), TRASH, jnp.int32)])
    src_slab = src_p.reshape(NW * NCHUNK, CHUNK)
    dst_slab = dst_p.reshape(NW * NCHUNK, CHUNK)

    ones1 = jnp.ones((CHUNK,), jnp.float32)
    zeros1 = jnp.zeros((RPT,), jnp.float32)
    zerosH = jnp.zeros((RPT, H), jnp.float32)

    degp = _sc_deg(dst_slab, ones1, zeros1)

    hw1 = pl.pallas_call(
        _tc0_body,
        out_shape=jax.ShapeDtypeStruct((N, H), jnp.float32),
    )(x, W1)

    hw1p, dis_b = pl.pallas_call(
        _tc1_body,
        out_shape=(jax.ShapeDtypeStruct((N, H), jnp.float32),
                   jax.ShapeDtypeStruct((N, H), jnp.float32)),
    )(hw1, degp)

    agg1 = _sc_agg(hw1p, src_slab, dst_slab, zerosH)

    hw2p = pl.pallas_call(
        _tc2_body,
        out_shape=jax.ShapeDtypeStruct((N, H), jnp.float32),
    )(agg1, hw1p, dis_b, b1.reshape(1, H), g1.reshape(1, H),
      be1.reshape(1, H), W2)

    agg2 = _sc_agg(hw2p, src_slab, dst_slab, zerosH)

    out = pl.pallas_call(
        _tc3_body,
        out_shape=jax.ShapeDtypeStruct((N, 1), jnp.float32),
    )(agg2, hw2p, dis_b, b2.reshape(1, H), g2.reshape(1, H),
      be2.reshape(1, H), Wl, bl.reshape(1, 1))

    return out

# --- scband reference (transcript-rebuilt; emitter-appended) ---
"""Pipeline reference for scband-my-gcn-10514079941365 (READ-ONLY COPY).

The authoritative reference and input builder live on the scoring server;
editing this copy changes nothing except your own understanding.
"""

import jax, jax.numpy as jnp
import numpy as np

N = 10000
E = 320000
D = 128
H = 128
EPS = 1e-5


def setup_inputs(seed: int = 0) -> dict:
    key = jax.random.key(seed)
    ks = jax.random.split(key, 12)
    x = jax.random.normal(ks[0], (N, D), dtype=jnp.float32)
    edge_index = jax.random.randint(ks[1], (2, E), 0, N, dtype=jnp.int32)
    W1 = jax.random.normal(ks[2], (D, H), dtype=jnp.float32) * (1.0 / np.sqrt(D))
    b1 = jnp.zeros((H,), dtype=jnp.float32)
    g1 = jnp.ones((H,), dtype=jnp.float32)
    be1 = jnp.zeros((H,), dtype=jnp.float32)
    W2 = jax.random.normal(ks[3], (H, H), dtype=jnp.float32) * (1.0 / np.sqrt(H))
    b2 = jnp.zeros((H,), dtype=jnp.float32)
    g2 = jnp.ones((H,), dtype=jnp.float32)
    be2 = jnp.zeros((H,), dtype=jnp.float32)
    Wl = jax.random.normal(ks[4], (H, 1), dtype=jnp.float32) * (1.0 / np.sqrt(H))
    bl = jnp.zeros((1,), dtype=jnp.float32)
    return {"x": x, "edge_index": edge_index, "W1": W1, "b1": b1, "g1": g1, "be1": be1,
            "W2": W2, "b2": b2, "g2": g2, "be2": be2, "Wl": Wl, "bl": bl}


def _gcn_conv(h, src, dst, W, b):
    # symmetric-normalized GCN aggregation with self-loops (loops appended in caller)
    deg = jax.ops.segment_sum(jnp.ones_like(src, dtype=h.dtype), dst, num_segments=N)
    dis = jnp.where(deg > 0, 1.0 / jnp.sqrt(deg), 0.0)
    norm = dis[src] * dis[dst]
    hw = h @ W
    msg = hw[src] * norm[:, None]
    out = jax.ops.segment_sum(msg, dst, num_segments=N)
    return out + b


def _bn(h, g, b):
    m = h.mean(axis=0)
    v = h.var(axis=0)
    return (h - m) / jnp.sqrt(v + EPS) * g + b


def reference(x, edge_index, W1, b1, g1, be1, W2, b2, g2, be2, Wl, bl):
    loops = jnp.arange(N, dtype=edge_index.dtype)
    src = jnp.concatenate([edge_index[0], loops])
    dst = jnp.concatenate([edge_index[1], loops])
    h = _gcn_conv(x, src, dst, W1, b1)
    h = _bn(h, g1, be1)
    h = jax.nn.relu(h)
    # dropout is identity in eval/deterministic reference
    h = _gcn_conv(h, src, dst, W2, b2)
    h = _bn(h, g2, be2)
    h = jax.nn.relu(h)
    h = h @ Wl + bl
    h = jax.nn.relu(h)
    return jax.nn.sigmoid(h)

if __name__ == "__main__":
    import jax
    _d = setup_inputs()
    print(jax.jit(kernel)(*tuple(_d.values())))

</pallas_src>

<mosaic_0001>
#map = affine_map<(d0, d1) -> (0, 0)>
#map1 = affine_map<(d0, d1) -> (0)>
module attributes {stable_mosaic.version = 14 : i64} {
  func.func @_sc_deg(%arg0: i32, %arg1: i32, %arg2: memref<2560x128xi32, #tpu.memory_space<hbm>>, %arg3: memref<128xf32, #tpu.memory_space<hbm>>, %arg4: memref<640xf32, #tpu.memory_space<hbm>>, %arg5: memref<20480xf32, #tpu.memory_space<hbm>>, %arg6: memref<80x128xi32, #tpu.memory_space<vmem>>, %arg7: memref<128xf32, #tpu.memory_space<vmem>>, %arg8: memref<10240xf32, #tpu.memory_space<vmem_shared>>) attributes {dimension_semantics = [#tpu.dimension_semantics<core_parallel>, #tpu.dimension_semantics<subcore_parallel>], iteration_bounds = array<i64: 2, 16>, scalar_prefetch = 0 : i64, scratch_operands = 3 : i64, tpu.core_type = #tpu.core_type<sc_vector_subcore>, window_params = [{transform_indices = #map}, {transform_indices = #map1}, {transform_indices = #map1}, {transform_indices = #map1}]} {
    %mul3A = arith.constant 16 : i32
    %mul3A_0 = arith.muli %arg0, %mul3A : i32
    %add3A = arith.addi %mul3A_0, %arg1 : i32
    %mul3A_1 = arith.constant 80 : i32
    %mul3A_2 = arith.muli %add3A, %mul3A_1 : i32
    "tpu.region"() ({
      %run_scoped3A = tpu.sem_alloc : memref<!tpu.dma_semaphore, #tpu.memory_space<semaphore_mem>>
      %dma_start3A = arith.constant 0 : i32
      %dma_start3A_18 = tpu.memref_slice %arg2[%mul3A_2, %dma_start3A] : memref<2560x128xi32, #tpu.memory_space<hbm>> -> memref<80x128xi32, #tpu.memory_space<hbm>>
      %dma_start3A_19 = arith.constant 0 : i32
      %dma_start3A_20 = tpu.memref_slice %arg2[%mul3A_2, %dma_start3A_19] : memref<2560x128xi32, #tpu.memory_space<hbm>> -> memref<80x128xi32, #tpu.memory_space<hbm>>
      tpu.enqueue_dma source(%dma_start3A_20 : memref<80x128xi32, #tpu.memory_space<hbm>>) target(%arg6 : memref<80x128xi32, #tpu.memory_space<vmem>>) target_semaphore(%run_scoped3A : memref<!tpu.dma_semaphore, #tpu.memory_space<semaphore_mem>>)
      %dma_wait3A = arith.constant 0 : i32
      %dma_wait3A_21 = tpu.memref_slice %arg2[%mul3A_2, %dma_wait3A] : memref<2560x128xi32, #tpu.memory_space<hbm>> -> memref<80x128xi32, #tpu.memory_space<hbm>>
      %dma_wait3A_22 = arith.constant 0 : i32
      %dma_wait3A_23 = tpu.memref_slice %arg2[%mul3A_2, %dma_wait3A_22] : memref<2560x128xi32, #tpu.memory_space<hbm>> -> memref<80x128xi32, #tpu.memory_space<hbm>>
      tpu.wait_dma2 semaphore(%run_scoped3A : memref<!tpu.dma_semaphore, #tpu.memory_space<semaphore_mem>>) src(%dma_wait3A_23 : memref<80x128xi32, #tpu.memory_space<hbm>>) dst(%arg6 : memref<80x128xi32, #tpu.memory_space<vmem>>)
      tpu.yield
    }) : () -> ()
    "tpu.region"() ({
      %run_scoped3A = tpu.sem_alloc : memref<!tpu.dma_semaphore, #tpu.memory_space<semaphore_mem>>
      tpu.enqueue_dma source(%arg3 : memref<128xf32, #tpu.memory_space<hbm>>) target(%arg7 : memref<128xf32, #tpu.memory_space<vmem>>) target_semaphore(%run_scoped3A : memref<!tpu.dma_semaphore, #tpu.memory_space<semaphore_mem>>)
      tpu.wait_dma2 semaphore(%run_scoped3A : memref<!tpu.dma_semaphore, #tpu.memory_space<semaphore_mem>>) src(%arg3 : memref<128xf32, #tpu.memory_space<hbm>>) dst(%arg7 : memref<128xf32, #tpu.memory_space<vmem>>)
      tpu.yield
    }) : () -> ()
    %mul3A_3 = arith.constant 640 : i32
    %mul3A_4 = arith.muli %arg1, %mul3A_3 : i32
    "tpu.region"() ({
      %run_scoped3A = tpu.sem_alloc : memref<!tpu.dma_semaphore, #tpu.memory_space<semaphore_mem>>
      %dma_start3A = tpu.memref_slice %arg8[%mul3A_4] : memref<10240xf32, #tpu.memory_space<vmem_shared>> -> memref<640xf32, #tpu.memory_space<vmem_shared>>
      tpu.enqueue_dma source(%arg4 : memref<640xf32, #tpu.memory_space<hbm>>) target(%dma_start3A : memref<640xf32, #tpu.memory_space<vmem_shared>>) target_semaphore(%run_scoped3A : memref<!tpu.dma_semaphore, #tpu.memory_space<semaphore_mem>>)
      %dma_wait3A = tpu.memref_slice %arg8[%mul3A_4] : memref<10240xf32, #tpu.memory_space<vmem_shared>> -> memref<640xf32, #tpu.memory_space<vmem_shared>>
      tpu.wait_dma2 semaphore(%run_scoped3A : memref<!tpu.dma_semaphore, #tpu.memory_space<semaphore_mem>>) src(%arg4 : memref<640xf32, #tpu.memory_space<hbm>>) dst(%dma_wait3A : memref<640xf32, #tpu.memory_space<vmem_shared>>)
      tpu.yield
    }) : () -> ()
    %barrier3A = arith.constant 0 : index
    tpu.barrier barrier_id(%barrier3A)
    %scan3A = arith.constant 0 : i32
    %scan3A_5 = arith.constant 0 : i32
    %scan3A_6 = arith.constant 80 : i32
    %scan3A_7 = arith.addi %scan3A_5, %scan3A_6 : i32
    %scan3A_8 = arith.constant 1 : i32
    scf.for %scan3A_18 = %scan3A_5 to %scan3A_7 step %scan3A_8  : i32 {
      "tpu.region"() ({
        %run_scoped3A = tpu.sem_alloc : memref<!tpu.dma_semaphore, #tpu.memory_space<semaphore_mem>>
        %dma_start3A = arith.constant 0 : i32
        %dma_start3A_19 = tpu.memref_slice %arg6[%scan3A_18, %dma_start3A] : memref<80x128xi32, #tpu.memory_space<vmem>> -> memref<1x128xi32, #tpu.memory_space<vmem>>
        %dma_start3A_20 = tpu.memref_squeeze %dma_start3A_19 : memref<1x128xi32, #tpu.memory_space<vmem>> -> memref<128xi32, #tpu.memory_space<vmem>>
        %dma_start3A_21 = arith.constant 0 : i32
        %dma_start3A_22 = tpu.memref_slice %arg8[%dma_start3A_21] : memref<10240xf32, #tpu.memory_space<vmem_shared>> -> memref<10240xf32, #tpu.memory_space<vmem_shared>>
        tpu.enqueue_indirect_dma source(%arg7 : memref<128xf32, #tpu.memory_space<vmem>>) target(%dma_start3A_22 : memref<10240xf32, #tpu.memory_space<vmem_shared>>) offsets(%dma_start3A_20 : memref<128xi32, #tpu.memory_space<vmem>>) semaphore(%run_scoped3A : memref<!tpu.dma_semaphore, #tpu.memory_space<semaphore_mem>>) {add = true}
        %dma_wait3A = arith.constant 0 : i32
        %dma_wait3A_23 = tpu.memref_slice %arg6[%scan3A_18, %dma_wait3A] : memref<80x128xi32, #tpu.memory_space<vmem>> -> memref<1x128xi32, #tpu.memory_space<vmem>>
        %dma_wait3A_24 = tpu.memref_squeeze %dma_wait3A_23 : memref<1x128xi32, #tpu.memory_space<vmem>> -> memref<128xi32, #tpu.memory_space<vmem>>
        %dma_wait3A_25 = arith.constant 0 : i32
        %dma_wait3A_26 = tpu.memref_slice %arg8[%dma_wait3A_25] : memref<10240xf32, #tpu.memory_space<vmem_shared>> -> memref<10240xf32, #tpu.memory_space<vmem_shared>>
        tpu.wait_indirect_dma semaphore(%run_scoped3A : memref<!tpu.dma_semaphore, #tpu.memory_space<semaphore_mem>>) src(%arg7 : memref<128xf32, #tpu.memory_space<vmem>>) dst(%dma_wait3A_26 : memref<10240xf32, #tpu.memory_space<vmem_shared>>)
        tpu.yield
      }) : () -> ()
    }
    %scan3A_9 = arith.constant 80 : i32
    %barrier3A_10 = arith.constant 0 : index
    tpu.barrier barrier_id(%barrier3A_10)
    %mul3A_11 = arith.constant 640 : i32
    %mul3A_12 = arith.muli %arg1, %mul3A_11 : i32
    %mul3A_13 = arith.constant 10240 : i32
    %mul3A_14 = arith.muli %arg0, %mul3A_13 : i32
    %mul3A_15 = arith.constant 640 : i32
    %mul3A_16 = arith.muli %arg1, %mul3A_15 : i32
    %add3A_17 = arith.addi %mul3A_14, %mul3A_16 : i32
    "tpu.region"() ({
      %run_scoped3A = tpu.sem_alloc : memref<!tpu.dma_semaphore, #tpu.memory_space<semaphore_mem>>
      %dma_start3A = tpu.memref_slice %arg5[%add3A_17] : memref<20480xf32, #tpu.memory_space<hbm>> -> memref<640xf32, #tpu.memory_space<hbm>>
      %dma_start3A_18 = tpu.memref_slice %arg8[%mul3A_12] : memref<10240xf32, #tpu.memory_space<vmem_shared>> -> memref<640xf32, #tpu.memory_space<vmem_shared>>
      tpu.enqueue_dma source(%dma_start3A_18 : memref<640xf32, #tpu.memory_space<vmem_shared>>) target(%dma_start3A : memref<640xf32, #tpu.memory_space<hbm>>) target_semaphore(%run_scoped3A : memref<!tpu.dma_semaphore, #tpu.memory_space<semaphore_mem>>)
      %dma_wait3A = tpu.memref_slice %arg5[%add3A_17] : memref<20480xf32, #tpu.memory_space<hbm>> -> memref<640xf32, #tpu.memory_space<hbm>>
      %dma_wait3A_19 = tpu.memref_slice %arg8[%mul3A_12] : memref<10240xf32, #tpu.memory_space<vmem_shared>> -> memref<640xf32, #tpu.memory_space<vmem_shared>>
      tpu.wait_dma2 semaphore(%run_scoped3A : memref<!tpu.dma_semaphore, #tpu.memory_space<semaphore_mem>>) src(%dma_wait3A_19 : memref<640xf32, #tpu.memory_space<vmem_shared>>) dst(%dma_wait3A : memref<640xf32, #tpu.memory_space<hbm>>)
      tpu.yield
    }) : () -> ()
    return
  }
}

#map = affine_map<(d0, d1) -> (0, 0)>
#map1 = affine_map<(d0, d1) -> (0, 0, 0)>
module attributes {stable_mosaic.version = 14 : i64} {
  func.func @_sc_agg(%arg0: i32, %arg1: i32, %arg2: memref<10000x128xf32, #tpu.memory_space<hbm>>, %arg3: memref<2560x128xi32, #tpu.memory_space<hbm>>, %arg4: memref<2560x128xi32, #tpu.memory_space<hbm>>, %arg5: memref<640x128xf32, #tpu.memory_space<hbm>>, %arg6: memref<2x10240x128xf32, #tpu.memory_space<hbm>>, %arg7: memref<16x128xi32, #tpu.memory_space<vmem>>, %arg8: memref<16x128xi32, #tpu.memory_space<vmem>>, %arg9: memref<128x128xf32, #tpu.memory_space<vmem>>, %arg10: memref<128x128xf32, #tpu.memory_space<vmem>>, %arg11: memref<10240x128xf32, #tpu.memory_space<vmem_shared>>, %arg12: memref<!tpu.dma_semaphore, #tpu.memory_space<semaphore_mem>>, %arg13: memref<!tpu.dma_semaphore, #tpu.memory_space<semaphore_mem>>) attributes {dimension_semantics = [#tpu.dimension_semantics<core_parallel>, #tpu.dimension_semantics<subcore_parallel>], iteration_bounds = array<i64: 2, 16>, scalar_prefetch = 0 : i64, scratch_operands = 7 : i64, tpu.core_type = #tpu.core_type<sc_vector_subcore>, window_params = [{transform_indices = #map}, {transform_indices = #map}, {transform_indices = #map}, {transform_indices = #map}, {transform_indices = #map1}]} {
    %eq3A = arith.constant 0 : i32
    %eq3A_0 = arith.cmpi eq, %arg0, %eq3A : i32
    %jit3A = arith.constant 144 : i32
    %jit3A_1 = arith.constant 16 : i32
    %select_n3A = arith.select %eq3A_0, %jit3A, %jit3A_1 : i32
    %eq3A_2 = arith.constant 0 : i32
    %eq3A_3 = arith.cmpi eq, %arg0, %eq3A_2 : i32
    %mul3A = arith.constant 144 : i32
    %mul3A_4 = arith.muli %arg1, %mul3A : i32
    %mul3A_5 = arith.constant 16 : i32
    %mul3A_6 = arith.muli %arg1, %mul3A_5 : i32
    %add3A = arith.constant 2304 : i32
    %add3A_7 = arith.addi %add3A, %mul3A_6 : i32
    %select_n3A_8 = arith.select %eq3A_3, %mul3A_4, %add3A_7 : i32
    %mul3A_9 = arith.constant 640 : i32
    %mul3A_10 = arith.muli %arg1, %mul3A_9 : i32
    "tpu.region"() ({
      %run_scoped3A = tpu.sem_alloc : memref<!tpu.dma_semaphore, #tpu.memory_space<semaphore_mem>>
      %dma_start3A = arith.constant 0 : i32
      %dma_start3A_43 = tpu.memref_slice %arg11[%mul3A_10, %dma_start3A] : memref<10240x128xf32, #tpu.memory_space<vmem_shared>> -> memref<640x128xf32, #tpu.memory_space<vmem_shared>>
      tpu.enqueue_dma source(%arg5 : memref<640x128xf32, #tpu.memory_space<hbm>>) target(%dma_start3A_43 : memref<640x128xf32, #tpu.memory_space<vmem_shared>>) target_semaphore(%run_scoped3A : memref<!tpu.dma_semaphore, #tpu.memory_space<semaphore_mem>>)
      %dma_wait3A = arith.constant 0 : i32
      %dma_wait3A_44 = tpu.memref_slice %arg11[%mul3A_10, %dma_wait3A] : memref<10240x128xf32, #tpu.memory_space<vmem_shared>> -> memref<640x128xf32, #tpu.memory_space<vmem_shared>>
      tpu.wait_dma2 semaphore(%run_scoped3A : memref<!tpu.dma_semaphore, #tpu.memory_space<semaphore_mem>>) src(%arg5 : memref<640x128xf32, #tpu.memory_space<hbm>>) dst(%dma_wait3A_44 : memref<640x128xf32, #tpu.memory_space<vmem_shared>>)
      tpu.yield
    }) : () -> ()
    %barrier3A = arith.constant 0 : index
    tpu.barrier barrier_id(%barrier3A)
    %jit3A_11 = arith.constant 16 : i32
    %div3A = arith.divsi %select_n3A, %jit3A_11 : i32
    %sign3A = arith.constant 0 : i32
    %sign3A_12 = arith.cmpi sgt, %select_n3A, %sign3A : i32
    %sign3A_13 = arith.extui %sign3A_12 : i1 to i32
    %sign3A_14 = arith.constant 0 : i32
    %sign3A_15 = arith.cmpi slt, %select_n3A, %sign3A_14 : i32
    %sign3A_16 = arith.extui %sign3A_15 : i1 to i32
    %sign3A_17 = arith.subi %sign3A_13, %sign3A_16 : i32
    %sign3A_18 = arith.constant 0 : i32
    %sign3A_19 = arith.cmpi sgt, %jit3A_11, %sign3A_18 : i32
    %sign3A_20 = arith.extui %sign3A_19 : i1 to i32
    %sign3A_21 = arith.constant 0 : i32
    %sign3A_22 = arith.cmpi slt, %jit3A_11, %sign3A_21 : i32
    %sign3A_23 = arith.extui %sign3A_22 : i1 to i32
    %sign3A_24 = arith.subi %sign3A_20, %sign3A_23 : i32
    %ne3A = arith.cmpi ne, %sign3A_17, %sign3A_24 : i32
    %rem3A = arith.remsi %select_n3A, %jit3A_11 : i32
    %ne3A_25 = arith.constant 0 : i32
    %ne3A_26 = arith.cmpi ne, %rem3A, %ne3A_25 : i32
    %and3A = arith.andi %ne3A, %ne3A_26 : i1
    %sub3A = arith.constant 1 : i32
    %sub3A_27 = arith.subi %div3A, %sub3A : i32
    %select_n3A_28 = arith.select %and3A, %sub3A_27, %div3A : i32
    %while3A = arith.constant 0 : i32
    %while3A_29 = arith.constant 0 : i32
    %while3A_30 = arith.subi %select_n3A_28, %while3A_29 : i32
    %while3A_31 = arith.addi %while3A_29, %while3A_30 : i32
    %while3A_32 = arith.constant 1 : i32
    %while3A_33 = arith.divsi %while3A_30, %while3A_32 : i32
    %while3A_34 = arith.muli %while3A_33, %while3A_32 : i32
    %while3A_35 = arith.addi %while3A_29, %while3A_34 : i32
    %while3A_36 = arith.constant 1 : i32
    scf.for %while3A_43 = %while3A_29 to %while3A_35 step %while3A_36  : i32 {
      %mul3A_44 = arith.constant 16 : i32
      %mul3A_45 = arith.muli %while3A_43, %mul3A_44 : i32
      %add3A_46 = arith.addi %select_n3A_8, %mul3A_45 : i32
      "tpu.region"() ({
        %run_scoped3A = tpu.sem_alloc : memref<!tpu.dma_semaphore, #tpu.memory_space<semaphore_mem>>
        %dma_start3A_67 = arith.constant 0 : i32
        %dma_start3A_68 = tpu.memref_slice %arg3[%add3A_46, %dma_start3A_67] : memref<2560x128xi32, #tpu.memory_space<hbm>> -> memref<16x128xi32, #tpu.memory_space<hbm>>
        %dma_start3A_69 = arith.constant 0 : i32
        %dma_start3A_70 = tpu.memref_slice %arg3[%add3A_46, %dma_start3A_69] : memref<2560x128xi32, #tpu.memory_space<hbm>> -> memref<16x128xi32, #tpu.memory_space<hbm>>
        tpu.enqueue_dma source(%dma_start3A_70 : memref<16x128xi32, #tpu.memory_space<hbm>>) target(%arg7 : memref<16x128xi32, #tpu.memory_space<vmem>>) target_semaphore(%run_scoped3A : memref<!tpu.dma_semaphore, #tpu.memory_space<semaphore_mem>>)
        %dma_wait3A_71 = arith.constant 0 : i32
        %dma_wait3A_72 = tpu.memref_slice %arg3[%add3A_46, %dma_wait3A_71] : memref<2560x128xi32, #tpu.memory_space<hbm>> -> memref<16x128xi32, #tpu.memory_space<hbm>>
        %dma_wait3A_73 = arith.constant 0 : i32
        %dma_wait3A_74 = tpu.memref_slice %arg3[%add3A_46, %dma_wait3A_73] : memref<2560x128xi32, #tpu.memory_space<hbm>> -> memref<16x128xi32, #tpu.memory_space<hbm>>
        tpu.wait_dma2 semaphore(%run_scoped3A : memref<!tpu.dma_semaphore, #tpu.memory_space<semaphore_mem>>) src(%dma_wait3A_74 : memref<16x128xi32, #tpu.memory_space<hbm>>) dst(%arg7 : memref<16x128xi32, #tpu.memory_space<vmem>>)
        tpu.yield
      }) : () -> ()
      %mul3A_47 = arith.constant 16 : i32
      %mul3A_48 = arith.muli %while3A_43, %mul3A_47 : i32
      %add3A_49 = arith.addi %select_n3A_8, %mul3A_48 : i32
      "tpu.region"() ({
        %run_scoped3A = tpu.sem_alloc : memref<!tpu.dma_semaphore, #tpu.memory_space<semaphore_mem>>
        %dma_start3A_67 = arith.constant 0 : i32
        %dma_start3A_68 = tpu.memref_slice %arg4[%add3A_49, %dma_start3A_67] : memref<2560x128xi32, #tpu.memory_space<hbm>> -> memref<16x128xi32, #tpu.memory_space<hbm>>
        %dma_start3A_69 = arith.constant 0 : i32
        %dma_start3A_70 = tpu.memref_slice %arg4[%add3A_49, %dma_start3A_69] : memref<2560x128xi32, #tpu.memory_space<hbm>> -> memref<16x128xi32, #tpu.memory_space<hbm>>
        tpu.enqueue_dma source(%dma_start3A_70 : memref<16x128xi32, #tpu.memory_space<hbm>>) target(%arg8 : memref<16x128xi32, #tpu.memory_space<vmem>>) target_semaphore(%run_scoped3A : memref<!tpu.dma_semaphore, #tpu.memory_space<semaphore_mem>>)
        %dma_wait3A_71 = arith.constant 0 : i32
        %dma_wait3A_72 = tpu.memref_slice %arg4[%add3A_49, %dma_wait3A_71] : memref<2560x128xi32, #tpu.memory_space<hbm>> -> memref<16x128xi32, #tpu.memory_space<hbm>>
        %dma_wait3A_73 = arith.constant 0 : i32
        %dma_wait3A_74 = tpu.memref_slice %arg4[%add3A_49, %dma_wait3A_73] : memref<2560x128xi32, #tpu.memory_space<hbm>> -> memref<16x128xi32, #tpu.memory_space<hbm>>
        tpu.wait_dma2 semaphore(%run_scoped3A : memref<!tpu.dma_semaphore, #tpu.memory_space<semaphore_mem>>) src(%dma_wait3A_74 : memref<16x128xi32, #tpu.memory_space<hbm>>) dst(%arg8 : memref<16x128xi32, #tpu.memory_space<vmem>>)
        tpu.yield
      }) : () -> ()
      %dma_start3A = arith.constant 0 : i32
      %dma_start3A_50 = arith.constant 0 : i32
      %dma_start3A_51 = tpu.memref_slice %arg7[%dma_start3A, %dma_start3A_50] : memref<16x128xi32, #tpu.memory_space<vmem>> -> memref<1x128xi32, #tpu.memory_space<vmem>>
      %dma_start3A_52 = tpu.memref_squeeze %dma_start3A_51 : memref<1x128xi32, #tpu.memory_space<vmem>> -> memref<128xi32, #tpu.memory_space<vmem>>
      %dma_start3A_53 = arith.constant 0 : i32
      %dma_start3A_54 = arith.constant 0 : i32
      %dma_start3A_55 = tpu.memref_slice %arg2[%dma_start3A_53, %dma_start3A_54] : memref<10000x128xf32, #tpu.memory_space<hbm>> -> memref<10000x128xf32, #tpu.memory_space<hbm>>
      tpu.enqueue_indirect_dma source(%dma_start3A_55 : memref<10000x128xf32, #tpu.memory_space<hbm>>) target(%arg9 : memref<128x128xf32, #tpu.memory_space<vmem>>) offsets(%dma_start3A_52 : memref<128xi32, #tpu.memory_space<vmem>>) semaphore(%arg12 : memref<!tpu.dma_semaphore, #tpu.memory_space<semaphore_mem>>)
      %scan3A = arith.constant 0 : i32
      %scan3A_56 = arith.constant 0 : i32
      %scan3A_57 = arith.constant 8 : i32
      %scan3A_58 = arith.addi %scan3A_56, %scan3A_57 : i32
      %scan3A_59 = arith.constant 1 : i32
      scf.for %scan3A_67 = %scan3A_56 to %scan3A_58 step %scan3A_59  : i32 {
        %mul3A_68 = arith.constant 2 : i32
        %mul3A_69 = arith.muli %scan3A_67, %mul3A_68 : i32
        %add3A_70 = arith.constant 0 : i32
        %add3A_71 = arith.addi %mul3A_69, %add3A_70 : i32
        %dma_wait3A_72 = arith.constant 0 : i32
        %dma_wait3A_73 = tpu.memref_slice %arg7[%add3A_71, %dma_wait3A_72] : memref<16x128xi32, #tpu.memory_space<vmem>> -> memref<1x128xi32, #tpu.memory_space<vmem>>
        %dma_wait3A_74 = tpu.memref_squeeze %dma_wait3A_73 : memref<1x128xi32, #tpu.memory_space<vmem>> -> memref<128xi32, #tpu.memory_space<vmem>>
        %dma_wait3A_75 = arith.constant 0 : i32
        %dma_wait3A_76 = arith.constant 0 : i32
        %dma_wait3A_77 = tpu.memref_slice %arg2[%dma_wait3A_75, %dma_wait3A_76] : memref<10000x128xf32, #tpu.memory_space<hbm>> -> memref<10000x128xf32, #tpu.memory_space<hbm>>
        tpu.wait_indirect_dma semaphore(%arg12 : memref<!tpu.dma_semaphore, #tpu.memory_space<semaphore_mem>>) src(%dma_wait3A_77 : memref<10000x128xf32, #tpu.memory_space<hbm>>) dst(%arg9 : memref<128x128xf32, #tpu.memory_space<vmem>>)
        %dma_start3A_78 = arith.constant 0 : i32
        %dma_start3A_79 = tpu.memref_slice %arg8[%add3A_71, %dma_start3A_78] : memref<16x128xi32, #tpu.memory_space<vmem>> -> memref<1x128xi32, #tpu.memory_space<vmem>>
        %dma_start3A_80 = tpu.memref_squeeze %dma_start3A_79 : memref<1x128xi32, #tpu.memory_space<vmem>> -> memref<128xi32, #tpu.memory_space<vmem>>
        %dma_start3A_81 = arith.constant 0 : i32
        %dma_start3A_82 = arith.constant 0 : i32
        %dma_start3A_83 = tpu.memref_slice %arg11[%dma_start3A_81, %dma_start3A_82] : memref<10240x128xf32, #tpu.memory_space<vmem_shared>> -> memref<10240x128xf32, #tpu.memory_space<vmem_shared>>
        tpu.enqueue_indirect_dma source(%arg9 : memref<128x128xf32, #tpu.memory_space<vmem>>) target(%dma_start3A_83 : memref<10240x128xf32, #tpu.memory_space<vmem_shared>>) offsets(%dma_start3A_80 : memref<128xi32, #tpu.memory_space<vmem>>) semaphore(%arg13 : memref<!tpu.dma_semaphore, #tpu.memory_space<semaphore_mem>>) {add = true}
        %ge3A = arith.constant 1 : i32
        %ge3A_84 = arith.cmpi sge, %add3A_71, %ge3A : i32
        %convert_element_type3A = arith.extui %ge3A_84 : i1 to i32
        %cond3A = arith.constant 0 : i32
        %cond3A_85 = arith.cmpi ne, %convert_element_type3A, %cond3A : i32
        scf.if %cond3A_85 {
          %dma_wait3A_120 = arith.constant 0 : i32
          %dma_wait3A_121 = tpu.memref_slice %arg8[%add3A_71, %dma_wait3A_120] : memref<16x128xi32, #tpu.memory_space<vmem>> -> memref<1x128xi32, #tpu.memory_space<vmem>>
          %dma_wait3A_122 = tpu.memref_squeeze %dma_wait3A_121 : memref<1x128xi32, #tpu.memory_space<vmem>> -> memref<128xi32, #tpu.memory_space<vmem>>
          %dma_wait3A_123 = arith.constant 0 : i32
          %dma_wait3A_124 = arith.constant 0 : i32
          %dma_wait3A_125 = tpu.memref_slice %arg11[%dma_wait3A_123, %dma_wait3A_124] : memref<10240x128xf32, #tpu.memory_space<vmem_shared>> -> memref<10240x128xf32, #tpu.memory_space<vmem_shared>>
          tpu.wait_indirect_dma semaphore(%arg13 : memref<!tpu.dma_semaphore, #tpu.memory_space<semaphore_mem>>) src(%arg10 : memref<128x128xf32, #tpu.memory_space<vmem>>) dst(%dma_wait3A_125 : memref<10240x128xf32, #tpu.memory_space<vmem_shared>>)
        } else {
        }
        %add3A_86 = arith.constant 1 : i32
        %add3A_87 = arith.addi %add3A_71, %add3A_86 : i32
        %lt3A = arith.constant 16 : i32
        %lt3A_88 = arith.cmpi slt, %add3A_87, %lt3A : i32
        %convert_element_type3A_89 = arith.extui %lt3A_88 : i1 to i32
        %cond3A_90 = arith.constant 0 : i32
        %cond3A_91 = arith.cmpi ne, %convert_element_type3A_89, %cond3A_90 : i32
        scf.if %cond3A_91 {
          %add3A_120 = arith.constant 1 : i32
          %add3A_121 = arith.addi %add3A_71, %add3A_120 : i32
          %dma_start3A_122 = arith.constant 0 : i32
          %dma_start3A_123 = tpu.memref_slice %arg7[%add3A_121, %dma_start3A_122] : memref<16x128xi32, #tpu.memory_space<vmem>> -> memref<1x128xi32, #tpu.memory_space<vmem>>
          %dma_start3A_124 = tpu.memref_squeeze %dma_start3A_123 : memref<1x128xi32, #tpu.memory_space<vmem>> -> memref<128xi32, #tpu.memory_space<vmem>>
          %dma_start3A_125 = arith.constant 0 : i32
          %dma_start3A_126 = arith.constant 0 : i32
          %dma_start3A_127 = tpu.memref_slice %arg2[%dma_start3A_125, %dma_start3A_126] : memref<10000x128xf32, #tpu.memory_space<hbm>> -> memref<10000x128xf32, #tpu.memory_space<hbm>>
          tpu.enqueue_indirect_dma source(%dma_start3A_127 : memref<10000x128xf32, #tpu.memory_space<hbm>>) target(%arg10 : memref<128x128xf32, #tpu.memory_space<vmem>>) offsets(%dma_start3A_124 : memref<128xi32, #tpu.memory_space<vmem>>) semaphore(%arg12 : memref<!tpu.dma_semaphore, #tpu.memory_space<semaphore_mem>>)
        } else {
        }
        %mul3A_92 = arith.constant 2 : i32
        %mul3A_93 = arith.muli %scan3A_67, %mul3A_92 : i32
        %add3A_94 = arith.constant 1 : i32
        %add3A_95 = arith.addi %mul3A_93, %add3A_94 : i32
        %dma_wait3A_96 = arith.constant 0 : i32
        %dma_wait3A_97 = tpu.memref_slice %arg7[%add3A_95, %dma_wait3A_96] : memref<16x128xi32, #tpu.memory_space<vmem>> -> memref<1x128xi32, #tpu.memory_space<vmem>>
        %dma_wait3A_98 = tpu.memref_squeeze %dma_wait3A_97 : memref<1x128xi32, #tpu.memory_space<vmem>> -> memref<128xi32, #tpu.memory_space<vmem>>
        %dma_wait3A_99 = arith.constant 0 : i32
        %dma_wait3A_100 = arith.constant 0 : i32
        %dma_wait3A_101 = tpu.memref_slice %arg2[%dma_wait3A_99, %dma_wait3A_100] : memref<10000x128xf32, #tpu.memory_space<hbm>> -> memref<10000x128xf32, #tpu.memory_space<hbm>>
        tpu.wait_indirect_dma semaphore(%arg12 : memref<!tpu.dma_semaphore, #tpu.memory_space<semaphore_mem>>) src(%dma_wait3A_101 : memref<10000x128xf32, #tpu.memory_space<hbm>>) dst(%arg10 : memref<128x128xf32, #tpu.memory_space<vmem>>)
        %dma_start3A_102 = arith.constant 0 : i32
        %dma_start3A_103 = tpu.memref_slice %arg8[%add3A_95, %dma_start3A_102] : memref<16x128xi32, #tpu.memory_space<vmem>> -> memref<1x128xi32, #tpu.memory_space<vmem>>
        %dma_start3A_104 = tpu.memref_squeeze %dma_start3A_103 : memref<1x128xi32, #tpu.memory_space<vmem>> -> memref<128xi32, #tpu.memory_space<vmem>>
        %dma_start3A_105 = arith.constant 0 : i32
        %dma_start3A_106 = arith.constant 0 : i32
        %dma_start3A_107 = tpu.memref_slice %arg11[%dma_start3A_105, %dma_start3A_106] : memref<10240x128xf32, #tpu.memory_space<vmem_shared>> -> memref<10240x128xf32, #tpu.memory_space<vmem_shared>>
        tpu.enqueue_indirect_dma source(%arg10 : memref<128x128xf32, #tpu.memory_space<vmem>>) target(%dma_start3A_107 : memref<10240x128xf32, #tpu.memory_space<vmem_shared>>) offsets(%dma_start3A_104 : memref<128xi32, #tpu.memory_space<vmem>>) semaphore(%arg13 : memref<!tpu.dma_semaphore, #tpu.memory_space<semaphore_mem>>) {add = true}
        %ge3A_108 = arith.constant 1 : i32
        %ge3A_109 = arith.cmpi sge, %add3A_95, %ge3A_108 : i32
        %convert_element_type3A_110 = arith.extui %ge3A_109 : i1 to i32
        %cond3A_111 = arith.constant 0 : i32
        %cond3A_112 = arith.cmpi ne, %convert_element_type3A_110, %cond3A_111 : i32
        scf.if %cond3A_112 {
          %dma_wait3A_120 = arith.constant 0 : i32
          %dma_wait3A_121 = tpu.memref_slice %arg8[%add3A_95, %dma_wait3A_120] : memref<16x128xi32, #tpu.memory_space<vmem>> -> memref<1x128xi32, #tpu.memory_space<vmem>>
          %dma_wait3A_122 = tpu.memref_squeeze %dma_wait3A_121 : memref<1x128xi32, #tpu.memory_space<vmem>> -> memref<128xi32, #tpu.memory_space<vmem>>
          %dma_wait3A_123 = arith.constant 0 : i32
          %dma_wait3A_124 = arith.constant 0 : i32
          %dma_wait3A_125 = tpu.memref_slice %arg11[%dma_wait3A_123, %dma_wait3A_124] : memref<10240x128xf32, #tpu.memory_space<vmem_shared>> -> memref<10240x128xf32, #tpu.memory_space<vmem_shared>>
          tpu.wait_indirect_dma semaphore(%arg13 : memref<!tpu.dma_semaphore, #tpu.memory_space<semaphore_mem>>) src(%arg9 : memref<128x128xf32, #tpu.memory_space<vmem>>) dst(%dma_wait3A_125 : memref<10240x128xf32, #tpu.memory_space<vmem_shared>>)
        } else {
        }
        %add3A_113 = arith.constant 1 : i32
        %add3A_114 = arith.addi %add3A_95, %add3A_113 : i32
        %lt3A_115 = arith.constant 16 : i32
        %lt3A_116 = arith.cmpi slt, %add3A_114, %lt3A_115 : i32
        %convert_element_type3A_117 = arith.extui %lt3A_116 : i1 to i32
        %cond3A_118 = arith.constant 0 : i32
        %cond3A_119 = arith.cmpi ne, %convert_element_type3A_117, %cond3A_118 : i32
        scf.if %cond3A_119 {
          %add3A_120 = arith.constant 1 : i32
          %add3A_121 = arith.addi %add3A_95, %add3A_120 : i32
          %dma_start3A_122 = arith.constant 0 : i32
          %dma_start3A_123 = tpu.memref_slice %arg7[%add3A_121, %dma_start3A_122] : memref<16x128xi32, #tpu.memory_space<vmem>> -> memref<1x128xi32, #tpu.memory_space<vmem>>
          %dma_start3A_124 = tpu.memref_squeeze %dma_start3A_123 : memref<1x128xi32, #tpu.memory_space<vmem>> -> memref<128xi32, #tpu.memory_space<vmem>>
          %dma_start3A_125 = arith.constant 0 : i32
          %dma_start3A_126 = arith.constant 0 : i32
          %dma_start3A_127 = tpu.memref_slice %arg2[%dma_start3A_125, %dma_start3A_126] : memref<10000x128xf32, #tpu.memory_space<hbm>> -> memref<10000x128xf32, #tpu.memory_space<hbm>>
          tpu.enqueue_indirect_dma source(%dma_start3A_127 : memref<10000x128xf32, #tpu.memory_space<hbm>>) target(%arg9 : memref<128x128xf32, #tpu.memory_space<vmem>>) offsets(%dma_start3A_124 : memref<128xi32, #tpu.memory_space<vmem>>) semaphore(%arg12 : memref<!tpu.dma_semaphore, #tpu.memory_space<semaphore_mem>>)
        } else {
        }
      }
      %scan3A_60 = arith.constant 8 : i32
      %dma_wait3A = arith.constant 0 : i32
      %dma_wait3A_61 = arith.constant 0 : i32
      %dma_wait3A_62 = tpu.memref_slice %arg8[%dma_wait3A, %dma_wait3A_61] : memref<16x128xi32, #tpu.memory_space<vmem>> -> memref<1x128xi32, #tpu.memory_space<vmem>>
      %dma_wait3A_63 = tpu.memref_squeeze %dma_wait3A_62 : memref<1x128xi32, #tpu.memory_space<vmem>> -> memref<128xi32, #tpu.memory_space<vmem>>
      %dma_wait3A_64 = arith.constant 0 : i32
      %dma_wait3A_65 = arith.constant 0 : i32
      %dma_wait3A_66 = tpu.memref_slice %arg11[%dma_wait3A_64, %dma_wait3A_65] : memref<10240x128xf32, #tpu.memory_space<vmem_shared>> -> memref<10240x128xf32, #tpu.memory_space<vmem_shared>>
      tpu.wait_indirect_dma semaphore(%arg13 : memref<!tpu.dma_semaphore, #tpu.memory_space<semaphore_mem>>) src(%arg9 : memref<128x128xf32, #tpu.memory_space<vmem>>) dst(%dma_wait3A_66 : memref<10240x128xf32, #tpu.memory_space<vmem_shared>>)
    }
    %while3A_37 = arith.constant 1 : i32
    scf.for %while3A_43 = %while3A_35 to %while3A_31 step %while3A_37  : i32 {
      %mul3A_44 = arith.constant 16 : i32
      %mul3A_45 = arith.muli %while3A_43, %mul3A_44 : i32
      %add3A_46 = arith.addi %select_n3A_8, %mul3A_45 : i32
      "tpu.region"() ({
        %run_scoped3A = tpu.sem_alloc : memref<!tpu.dma_semaphore, #tpu.memory_space<semaphore_mem>>
        %dma_start3A_67 = arith.constant 0 : i32
        %dma_start3A_68 = tpu.memref_slice %arg3[%add3A_46, %dma_start3A_67] : memref<2560x128xi32, #tpu.memory_space<hbm>> -> memref<16x128xi32, #tpu.memory_space<hbm>>
        %dma_start3A_69 = arith.constant 0 : i32
        %dma_start3A_70 = tpu.memref_slice %arg3[%add3A_46, %dma_start3A_69] : memref<2560x128xi32, #tpu.memory_space<hbm>> -> memref<16x128xi32, #tpu.memory_space<hbm>>
        tpu.enqueue_dma source(%dma_start3A_70 : memref<16x128xi32, #tpu.memory_space<hbm>>) target(%arg7 : memref<16x128xi32, #tpu.memory_space<vmem>>) target_semaphore(%run_scoped3A : memref<!tpu.dma_semaphore, #tpu.memory_space<semaphore_mem>>)
        %dma_wait3A_71 = arith.constant 0 : i32
        %dma_wait3A_72 = tpu.memref_slice %arg3[%add3A_46, %dma_wait3A_71] : memref<2560x128xi32, #tpu.memory_space<hbm>> -> memref<16x128xi32, #tpu.memory_space<hbm>>
        %dma_wait3A_73 = arith.constant 0 : i32
        %dma_wait3A_74 = tpu.memref_slice %arg3[%add3A_46, %dma_wait3A_73] : memref<2560x128xi32, #tpu.memory_space<hbm>> -> memref<16x128xi32, #tpu.memory_space<hbm>>
        tpu.wait_dma2 semaphore(%run_scoped3A : memref<!tpu.dma_semaphore, #tpu.memory_space<semaphore_mem>>) src(%dma_wait3A_74 : memref<16x128xi32, #tpu.memory_space<hbm>>) dst(%arg7 : memref<16x128xi32, #tpu.memory_space<vmem>>)
        tpu.yield
      }) : () -> ()
      %mul3A_47 = arith.constant 16 : i32
      %mul3A_48 = arith.muli %while3A_43, %mul3A_47 : i32
      %add3A_49 = arith.addi %select_n3A_8, %mul3A_48 : i32
      "tpu.region"() ({
        %run_scoped3A = tpu.sem_alloc : memref<!tpu.dma_semaphore, #tpu.memory_space<semaphore_mem>>
        %dma_start3A_67 = arith.constant 0 : i32
        %dma_start3A_68 = tpu.memref_slice %arg4[%add3A_49, %dma_start3A_67] : memref<2560x128xi32, #tpu.memory_space<hbm>> -> memref<16x128xi32, #tpu.memory_space<hbm>>
        %dma_start3A_69 = arith.constant 0 : i32
        %dma_start3A_70 = tpu.memref_slice %arg4[%add3A_49, %dma_start3A_69] : memref<2560x128xi32, #tpu.memory_space<hbm>> -> memref<16x128xi32, #tpu.memory_space<hbm>>
        tpu.enqueue_dma source(%dma_start3A_70 : memref<16x128xi32, #tpu.memory_space<hbm>>) target(%arg8 : memref<16x128xi32, #tpu.memory_space<vmem>>) target_semaphore(%run_scoped3A : memref<!tpu.dma_semaphore, #tpu.memory_space<semaphore_mem>>)
        %dma_wait3A_71 = arith.constant 0 : i32
        %dma_wait3A_72 = tpu.memref_slice %arg4[%add3A_49, %dma_wait3A_71] : memref<2560x128xi32, #tpu.memory_space<hbm>> -> memref<16x128xi32, #tpu.memory_space<hbm>>
        %dma_wait3A_73 = arith.constant 0 : i32
        %dma_wait3A_74 = tpu.memref_slice %arg4[%add3A_49, %dma_wait3A_73] : memref<2560x128xi32, #tpu.memory_space<hbm>> -> memref<16x128xi32, #tpu.memory_space<hbm>>
        tpu.wait_dma2 semaphore(%run_scoped3A : memref<!tpu.dma_semaphore, #tpu.memory_space<semaphore_mem>>) src(%dma_wait3A_74 : memref<16x128xi32, #tpu.memory_space<hbm>>) dst(%arg8 : memref<16x128xi32, #tpu.memory_space<vmem>>)
        tpu.yield
      }) : () -> ()
      %dma_start3A = arith.constant 0 : i32
      %dma_start3A_50 = arith.constant 0 : i32
      %dma_start3A_51 = tpu.memref_slice %arg7[%dma_start3A, %dma_start3A_50] : memref<16x128xi32, #tpu.memory_space<vmem>> -> memref<1x128xi32, #tpu.memory_space<vmem>>
      %dma_start3A_52 = tpu.memref_squeeze %dma_start3A_51 : memref<1x128xi32, #tpu.memory_space<vmem>> -> memref<128xi32, #tpu.memory_space<vmem>>
      %dma_start3A_53 = arith.constant 0 : i32
      %dma_start3A_54 = arith.constant 0 : i32
      %dma_start3A_55 = tpu.memref_slice %arg2[%dma_start3A_53, %dma_start3A_54] : memref<10000x128xf32, #tpu.memory_space<hbm>> -> memref<10000x128xf32, #tpu.memory_space<hbm>>
      tpu.enqueue_indirect_dma source(%dma_start3A_55 : memref<10000x128xf32, #tpu.memory_space<hbm>>) target(%arg9 : memref<128x128xf32, #tpu.memory_space<vmem>>) offsets(%dma_start3A_52 : memref<128xi32, #tpu.memory_space<vmem>>) semaphore(%arg12 : memref<!tpu.dma_semaphore, #tpu.memory_space<semaphore_mem>>)
      %scan3A = arith.constant 0 : i32
      %scan3A_56 = arith.constant 0 : i32
      %scan3A_57 = arith.constant 8 : i32
      %scan3A_58 = arith.addi %scan3A_56, %scan3A_57 : i32
      %scan3A_59 = arith.constant 1 : i32
      scf.for %scan3A_67 = %scan3A_56 to %scan3A_58 step %scan3A_59  : i32 {
        %mul3A_68 = arith.constant 2 : i32
        %mul3A_69 = arith.muli %scan3A_67, %mul3A_68 : i32
        %add3A_70 = arith.constant 0 : i32
        %add3A_71 = arith.addi %mul3A_69, %add3A_70 : i32
        %dma_wait3A_72 = arith.constant 0 : i32
        %dma_wait3A_73 = tpu.memref_slice %arg7[%add3A_71, %dma_wait3A_72] : memref<16x128xi32, #tpu.memory_space<vmem>> -> memref<1x128xi32, #tpu.memory_space<vmem>>
        %dma_wait3A_74 = tpu.memref_squeeze %dma_wait3A_73 : memref<1x128xi32, #tpu.memory_space<vmem>> -> memref<128xi32, #tpu.memory_space<vmem>>
        %dma_wait3A_75 = arith.constant 0 : i32
        %dma_wait3A_76 = arith.constant 0 : i32
        %dma_wait3A_77 = tpu.memref_slice %arg2[%dma_wait3A_75, %dma_wait3A_76] : memref<10000x128xf32, #tpu.memory_space<hbm>> -> memref<10000x128xf32, #tpu.memory_space<hbm>>
        tpu.wait_indirect_dma semaphore(%arg12 : memref<!tpu.dma_semaphore, #tpu.memory_space<semaphore_mem>>) src(%dma_wait3A_77 : memref<10000x128xf32, #tpu.memory_space<hbm>>) dst(%arg9 : memref<128x128xf32, #tpu.memory_space<vmem>>)
        %dma_start3A_78 = arith.constant 0 : i32
        %dma_start3A_79 = tpu.memref_slice %arg8[%add3A_71, %dma_start3A_78] : memref<16x128xi32, #tpu.memory_space<vmem>> -> memref<1x128xi32, #tpu.memory_space<vmem>>
        %dma_start3A_80 = tpu.memref_squeeze %dma_start3A_79 : memref<1x128xi32, #tpu.memory_space<vmem>> -> memref<128xi32, #tpu.memory_space<vmem>>
        %dma_start3A_81 = arith.constant 0 : i32
        %dma_start3A_82 = arith.constant 0 : i32
        %dma_start3A_83 = tpu.memref_slice %arg11[%dma_start3A_81, %dma_start3A_82] : memref<10240x128xf32, #tpu.memory_space<vmem_shared>> -> memref<10240x128xf32, #tpu.memory_space<vmem_shared>>
        tpu.enqueue_indirect_dma source(%arg9 : memref<128x128xf32, #tpu.memory_space<vmem>>) target(%dma_start3A_83 : memref<10240x128xf32, #tpu.memory_space<vmem_shared>>) offsets(%dma_start3A_80 : memref<128xi32, #tpu.memory_space<vmem>>) semaphore(%arg13 : memref<!tpu.dma_semaphore, #tpu.memory_space<semaphore_mem>>) {add = true}
        %ge3A = arith.constant 1 : i32
        %ge3A_84 = arith.cmpi sge, %add3A_71, %ge3A : i32
        %convert_element_type3A = arith.extui %ge3A_84 : i1 to i32
        %cond3A = arith.constant 0 : i32
        %cond3A_85 = arith.cmpi ne, %convert_element_type3A, %cond3A : i32
        scf.if %cond3A_85 {
          %dma_wait3A_120 = arith.constant 0 : i32
          %dma_wait3A_121 = tpu.memref_slice %arg8[%add3A_71, %dma_wait3A_120] : memref<16x128xi32, #tpu.memory_space<vmem>> -> memref<1x128xi32, #tpu.memory_space<vmem>>
          %dma_wait3A_122 = tpu.memref_squeeze %dma_wait3A_121 : memref<1x128xi32, #tpu.memory_space<vmem>> -> memref<128xi32, #tpu.memory_space<vmem>>
          %dma_wait3A_123 = arith.constant 0 : i32
          %dma_wait3A_124 = arith.constant 0 : i32
          %dma_wait3A_125 = tpu.memref_slice %arg11[%dma_wait3A_123, %dma_wait3A_124] : memref<10240x128xf32, #tpu.memory_space<vmem_shared>> -> memref<10240x128xf32, #tpu.memory_space<vmem_shared>>
          tpu.wait_indirect_dma semaphore(%arg13 : memref<!tpu.dma_semaphore, #tpu.memory_space<semaphore_mem>>) src(%arg10 : memref<128x128xf32, #tpu.memory_space<vmem>>) dst(%dma_wait3A_125 : memref<10240x128xf32, #tpu.memory_space<vmem_shared>>)
        } else {
        }
        %add3A_86 = arith.constant 1 : i32
        %add3A_87 = arith.addi %add3A_71, %add3A_86 : i32
        %lt3A = arith.constant 16 : i32
        %lt3A_88 = arith.cmpi slt, %add3A_87, %lt3A : i32
        %convert_element_type3A_89 = arith.extui %lt3A_88 : i1 to i32
        %cond3A_90 = arith.constant 0 : i32
        %cond3A_91 = arith.cmpi ne, %convert_element_type3A_89, %cond3A_90 : i32
        scf.if %cond3A_91 {
          %add3A_120 = arith.constant 1 : i32
          %add3A_121 = arith.addi %add3A_71, %add3A_120 : i32
          %dma_start3A_122 = arith.constant 0 : i32
          %dma_start3A_123 = tpu.memref_slice %arg7[%add3A_121, %dma_start3A_122] : memref<16x128xi32, #tpu.memory_space<vmem>> -> memref<1x128xi32, #tpu.memory_space<vmem>>
          %dma_start3A_124 = tpu.memref_squeeze %dma_start3A_123 : memref<1x128xi32, #tpu.memory_space<vmem>> -> memref<128xi32, #tpu.memory_space<vmem>>
          %dma_start3A_125 = arith.constant 0 : i32
          %dma_start3A_126 = arith.constant 0 : i32
          %dma_start3A_127 = tpu.memref_slice %arg2[%dma_start3A_125, %dma_start3A_126] : memref<10000x128xf32, #tpu.memory_space<hbm>> -> memref<10000x128xf32, #tpu.memory_space<hbm>>
          tpu.enqueue_indirect_dma source(%dma_start3A_127 : memref<10000x128xf32, #tpu.memory_space<hbm>>) target(%arg10 : memref<128x128xf32, #tpu.memory_space<vmem>>) offsets(%dma_start3A_124 : memref<128xi32, #tpu.memory_space<vmem>>) semaphore(%arg12 : memref<!tpu.dma_semaphore, #tpu.memory_space<semaphore_mem>>)
        } else {
        }
        %mul3A_92 = arith.constant 2 : i32
        %mul3A_93 = arith.muli %scan3A_67, %mul3A_92 : i32
        %add3A_94 = arith.constant 1 : i32
        %add3A_95 = arith.addi %mul3A_93, %add3A_94 : i32
        %dma_wait3A_96 = arith.constant 0 : i32
        %dma_wait3A_97 = tpu.memref_slice %arg7[%add3A_95, %dma_wait3A_96] : memref<16x128xi32, #tpu.memory_space<vmem>> -> memref<1x128xi32, #tpu.memory_space<vmem>>
        %dma_wait3A_98 = tpu.memref_squeeze %dma_wait3A_97 : memref<1x128xi32, #tpu.memory_space<vmem>> -> memref<128xi32, #tpu.memory_space<vmem>>
        %dma_wait3A_99 = arith.constant 0 : i32
        %dma_wait3A_100 = arith.constant 0 : i32
        %dma_wait3A_101 = tpu.memref_slice %arg2[%dma_wait3A_99, %dma_wait3A_100] : memref<10000x128xf32, #tpu.memory_space<hbm>> -> memref<10000x128xf32, #tpu.memory_space<hbm>>
        tpu.wait_indirect_dma semaphore(%arg12 : memref<!tpu.dma_semaphore, #tpu.memory_space<semaphore_mem>>) src(%dma_wait3A_101 : memref<10000x128xf32, #tpu.memory_space<hbm>>) dst(%arg10 : memref<128x128xf32, #tpu.memory_space<vmem>>)
        %dma_start3A_102 = arith.constant 0 : i32
        %dma_start3A_103 = tpu.memref_slice %arg8[%add3A_95, %dma_start3A_102] : memref<16x128xi32, #tpu.memory_space<vmem>> -> memref<1x128xi32, #tpu.memory_space<vmem>>
        %dma_start3A_104 = tpu.memref_squeeze %dma_start3A_103 : memref<1x128xi32, #tpu.memory_space<vmem>> -> memref<128xi32, #tpu.memory_space<vmem>>
        %dma_start3A_105 = arith.constant 0 : i32
        %dma_start3A_106 = arith.constant 0 : i32
        %dma_start3A_107 = tpu.memref_slice %arg11[%dma_start3A_105, %dma_start3A_106] : memref<10240x128xf32, #tpu.memory_space<vmem_shared>> -> memref<10240x128xf32, #tpu.memory_space<vmem_shared>>
        tpu.enqueue_indirect_dma source(%arg10 : memref<128x128xf32, #tpu.memory_space<vmem>>) target(%dma_start3A_107 : memref<10240x128xf32, #tpu.memory_space<vmem_shared>>) offsets(%dma_start3A_104 : memref<128xi32, #tpu.memory_space<vmem>>) semaphore(%arg13 : memref<!tpu.dma_semaphore, #tpu.memory_space<semaphore_mem>>) {add = true}
        %ge3A_108 = arith.constant 1 : i32
        %ge3A_109 = arith.cmpi sge, %add3A_95, %ge3A_108 : i32
        %convert_element_type3A_110 = arith.extui %ge3A_109 : i1 to i32
        %cond3A_111 = arith.constant 0 : i32
        %cond3A_112 = arith.cmpi ne, %convert_element_type3A_110, %cond3A_111 : i32
        scf.if %cond3A_112 {
          %dma_wait3A_120 = arith.constant 0 : i32
          %dma_wait3A_121 = tpu.memref_slice %arg8[%add3A_95, %dma_wait3A_120] : memref<16x128xi32, #tpu.memory_space<vmem>> -> memref<1x128xi32, #tpu.memory_space<vmem>>
          %dma_wait3A_122 = tpu.memref_squeeze %dma_wait3A_121 : memref<1x128xi32, #tpu.memory_space<vmem>> -> memref<128xi32, #tpu.memory_space<vmem>>
          %dma_wait3A_123 = arith.constant 0 : i32
          %dma_wait3A_124 = arith.constant 0 : i32
          %dma_wait3A_125 = tpu.memref_slice %arg11[%dma_wait3A_123, %dma_wait3A_124] : memref<10240x128xf32, #tpu.memory_space<vmem_shared>> -> memref<10240x128xf32, #tpu.memory_space<vmem_shared>>
          tpu.wait_indirect_dma semaphore(%arg13 : memref<!tpu.dma_semaphore, #tpu.memory_space<semaphore_mem>>) src(%arg9 : memref<128x128xf32, #tpu.memory_space<vmem>>) dst(%dma_wait3A_125 : memref<10240x128xf32, #tpu.memory_space<vmem_shared>>)
        } else {
        }
        %add3A_113 = arith.constant 1 : i32
        %add3A_114 = arith.addi %add3A_95, %add3A_113 : i32
        %lt3A_115 = arith.constant 16 : i32
        %lt3A_116 = arith.cmpi slt, %add3A_114, %lt3A_115 : i32
        %convert_element_type3A_117 = arith.extui %lt3A_116 : i1 to i32
        %cond3A_118 = arith.constant 0 : i32
        %cond3A_119 = arith.cmpi ne, %convert_element_type3A_117, %cond3A_118 : i32
        scf.if %cond3A_119 {
          %add3A_120 = arith.constant 1 : i32
          %add3A_121 = arith.addi %add3A_95, %add3A_120 : i32
          %dma_start3A_122 = arith.constant 0 : i32
          %dma_start3A_123 = tpu.memref_slice %arg7[%add3A_121, %dma_start3A_122] : memref<16x128xi32, #tpu.memory_space<vmem>> -> memref<1x128xi32, #tpu.memory_space<vmem>>
          %dma_start3A_124 = tpu.memref_squeeze %dma_start3A_123 : memref<1x128xi32, #tpu.memory_space<vmem>> -> memref<128xi32, #tpu.memory_space<vmem>>
          %dma_start3A_125 = arith.constant 0 : i32
          %dma_start3A_126 = arith.constant 0 : i32
          %dma_start3A_127 = tpu.memref_slice %arg2[%dma_start3A_125, %dma_start3A_126] : memref<10000x128xf32, #tpu.memory_space<hbm>> -> memref<10000x128xf32, #tpu.memory_space<hbm>>
          tpu.enqueue_indirect_dma source(%dma_start3A_127 : memref<10000x128xf32, #tpu.memory_space<hbm>>) target(%arg9 : memref<128x128xf32, #tpu.memory_space<vmem>>) offsets(%dma_start3A_124 : memref<128xi32, #tpu.memory_space<vmem>>) semaphore(%arg12 : memref<!tpu.dma_semaphore, #tpu.memory_space<semaphore_mem>>)
        } else {
        }
      }
      %scan3A_60 = arith.constant 8 : i32
      %dma_wait3A = arith.constant 0 : i32
      %dma_wait3A_61 = arith.constant 0 : i32
      %dma_wait3A_62 = tpu.memref_slice %arg8[%dma_wait3A, %dma_wait3A_61] : memref<16x128xi32, #tpu.memory_space<vmem>> -> memref<1x128xi32, #tpu.memory_space<vmem>>
      %dma_wait3A_63 = tpu.memref_squeeze %dma_wait3A_62 : memref<1x128xi32, #tpu.memory_space<vmem>> -> memref<128xi32, #tpu.memory_space<vmem>>
      %dma_wait3A_64 = arith.constant 0 : i32
      %dma_wait3A_65 = arith.constant 0 : i32
      %dma_wait3A_66 = tpu.memref_slice %arg11[%dma_wait3A_64, %dma_wait3A_65] : memref<10240x128xf32, #tpu.memory_space<vmem_shared>> -> memref<10240x128xf32, #tpu.memory_space<vmem_shared>>
      tpu.wait_indirect_dma semaphore(%arg13 : memref<!tpu.dma_semaphore, #tpu.memory_space<semaphore_mem>>) src(%arg9 : memref<128x128xf32, #tpu.memory_space<vmem>>) dst(%dma_wait3A_66 : memref<10240x128xf32, #tpu.memory_space<vmem_shared>>)
    }
    %barrier3A_38 = arith.constant 0 : index
    tpu.barrier barrier_id(%barrier3A_38)
    %mul3A_39 = arith.constant 640 : i32
    %mul3A_40 = arith.muli %arg1, %mul3A_39 : i32
    %mul3A_41 = arith.constant 640 : i32
    %mul3A_42 = arith.muli %arg1, %mul3A_41 : i32
    "tpu.region"() ({
      %run_scoped3A = tpu.sem_alloc : memref<!tpu.dma_semaphore, #tpu.memory_space<semaphore_mem>>
      %dma_start3A = arith.constant 0 : i32
      %dma_start3A_43 = tpu.memref_slice %arg6[%arg0, %mul3A_42, %dma_start3A] : memref<2x10240x128xf32, #tpu.memory_space<hbm>> -> memref<1x640x128xf32, #tpu.memory_space<hbm>>
      %dma_start3A_44 = tpu.memref_squeeze %dma_start3A_43 : memref<1x640x128xf32, #tpu.memory_space<hbm>> -> memref<640x128xf32, #tpu.memory_space<hbm>>
      %dma_start3A_45 = arith.constant 0 : i32
      %dma_start3A_46 = tpu.memref_slice %arg11[%mul3A_40, %dma_start3A_45] : memref<10240x128xf32, #tpu.memory_space<vmem_shared>> -> memref<640x128xf32, #tpu.memory_space<vmem_shared>>
      tpu.enqueue_dma source(%dma_start3A_46 : memref<640x128xf32, #tpu.memory_space<vmem_shared>>) target(%dma_start3A_44 : memref<640x128xf32, #tpu.memory_space<hbm>>) target_semaphore(%run_scoped3A : memref<!tpu.dma_semaphore, #tpu.memory_space<semaphore_mem>>)
      %dma_wait3A = arith.constant 0 : i32
      %dma_wait3A_47 = tpu.memref_slice %arg6[%arg0, %mul3A_42, %dma_wait3A] : memref<2x10240x128xf32, #tpu.memory_space<hbm>> -> memref<1x640x128xf32, #tpu.memory_space<hbm>>
      %dma_wait3A_48 = tpu.memref_squeeze %dma_wait3A_47 : memref<1x640x128xf32, #tpu.memory_space<hbm>> -> memref<640x128xf32, #tpu.memory_space<hbm>>
      %dma_wait3A_49 = arith.constant 0 : i32
      %dma_wait3A_50 = tpu.memref_slice %arg11[%mul3A_40, %dma_wait3A_49] : memref<10240x128xf32, #tpu.memory_space<vmem_shared>> -> memref<640x128xf32, #tpu.memory_space<vmem_shared>>
      tpu.wait_dma2 semaphore(%run_scoped3A : memref<!tpu.dma_semaphore, #tpu.memory_space<semaphore_mem>>) src(%dma_wait3A_50 : memref<640x128xf32, #tpu.memory_space<vmem_shared>>) dst(%dma_wait3A_48 : memref<640x128xf32, #tpu.memory_space<hbm>>)
      tpu.yield
    }) : () -> ()
    return
  }
}

#map = affine_map<(d0, d1) -> (0, 0)>
#map1 = affine_map<(d0, d1) -> (0, 0, 0)>
module attributes {stable_mosaic.version = 14 : i64} {
  func.func @_sc_agg(%arg0: i32, %arg1: i32, %arg2: memref<10000x128xf32, #tpu.memory_space<hbm>>, %arg3: memref<2560x128xi32, #tpu.memory_space<hbm>>, %arg4: memref<2560x128xi32, #tpu.memory_space<hbm>>, %arg5: memref<640x128xf32, #tpu.memory_space<hbm>>, %arg6: memref<2x10240x128xf32, #tpu.memory_space<hbm>>, %arg7: memref<16x128xi32, #tpu.memory_space<vmem>>, %arg8: memref<16x128xi32, #tpu.memory_space<vmem>>, %arg9: memref<128x128xf32, #tpu.memory_space<vmem>>, %arg10: memref<128x128xf32, #tpu.memory_space<vmem>>, %arg11: memref<10240x128xf32, #tpu.memory_space<vmem_shared>>, %arg12: memref<!tpu.dma_semaphore, #tpu.memory_space<semaphore_mem>>, %arg13: memref<!tpu.dma_semaphore, #tpu.memory_space<semaphore_mem>>) attributes {dimension_semantics = [#tpu.dimension_semantics<core_parallel>, #tpu.dimension_semantics<subcore_parallel>], iteration_bounds = array<i64: 2, 16>, scalar_prefetch = 0 : i64, scratch_operands = 7 : i64, tpu.core_type = #tpu.core_type<sc_vector_subcore>, window_params = [{transform_indices = #map}, {transform_indices = #map}, {transform_indices = #map}, {transform_indices = #map}, {transform_indices = #map1}]} {
    %eq3A = arith.constant 0 : i32
    %eq3A_0 = arith.cmpi eq, %arg0, %eq3A : i32
    %jit3A = arith.constant 144 : i32
    %jit3A_1 = arith.constant 16 : i32
    %select_n3A = arith.select %eq3A_0, %jit3A, %jit3A_1 : i32
    %eq3A_2 = arith.constant 0 : i32
    %eq3A_3 = arith.cmpi eq, %arg0, %eq3A_2 : i32
    %mul3A = arith.constant 144 : i32
    %mul3A_4 = arith.muli %arg1, %mul3A : i32
    %mul3A_5 = arith.constant 16 : i32
    %mul3A_6 = arith.muli %arg1, %mul3A_5 : i32
    %add3A = arith.constant 2304 : i32
    %add3A_7 = arith.addi %add3A, %mul3A_6 : i32
    %select_n3A_8 = arith.select %eq3A_3, %mul3A_4, %add3A_7 : i32
    %mul3A_9 = arith.constant 640 : i32
    %mul3A_10 = arith.muli %arg1, %mul3A_9 : i32
    "tpu.region"() ({
      %run_scoped3A = tpu.sem_alloc : memref<!tpu.dma_semaphore, #tpu.memory_space<semaphore_mem>>
      %dma_start3A = arith.constant 0 : i32
      %dma_start3A_43 = tpu.memref_slice %arg11[%mul3A_10, %dma_start3A] : memref<10240x128xf32, #tpu.memory_space<vmem_shared>> -> memref<640x128xf32, #tpu.memory_space<vmem_shared>>
      tpu.enqueue_dma source(%arg5 : memref<640x128xf32, #tpu.memory_space<hbm>>) target(%dma_start3A_43 : memref<640x128xf32, #tpu.memory_space<vmem_shared>>) target_semaphore(%run_scoped3A : memref<!tpu.dma_semaphore, #tpu.memory_space<semaphore_mem>>)
      %dma_wait3A = arith.constant 0 : i32
      %dma_wait3A_44 = tpu.memref_slice %arg11[%mul3A_10, %dma_wait3A] : memref<10240x128xf32, #tpu.memory_space<vmem_shared>> -> memref<640x128xf32, #tpu.memory_space<vmem_shared>>
      tpu.wait_dma2 semaphore(%run_scoped3A : memref<!tpu.dma_semaphore, #tpu.memory_space<semaphore_mem>>) src(%arg5 : memref<640x128xf32, #tpu.memory_space<hbm>>) dst(%dma_wait3A_44 : memref<640x128xf32, #tpu.memory_space<vmem_shared>>)
      tpu.yield
    }) : () -> ()
    %barrier3A = arith.constant 0 : index
    tpu.barrier barrier_id(%barrier3A)
    %jit3A_11 = arith.constant 16 : i32
    %div3A = arith.divsi %select_n3A, %jit3A_11 : i32
    %sign3A = arith.constant 0 : i32
    %sign3A_12 = arith.cmpi sgt, %select_n3A, %sign3A : i32
    %sign3A_13 = arith.extui %sign3A_12 : i1 to i32
    %sign3A_14 = arith.constant 0 : i32
    %sign3A_15 = arith.cmpi slt, %select_n3A, %sign3A_14 : i32
    %sign3A_16 = arith.extui %sign3A_15 : i1 to i32
    %sign3A_17 = arith.subi %sign3A_13, %sign3A_16 : i32
    %sign3A_18 = arith.constant 0 : i32
    %sign3A_19 = arith.cmpi sgt, %jit3A_11, %sign3A_18 : i32
    %sign3A_20 = arith.extui %sign3A_19 : i1 to i32
    %sign3A_21 = arith.constant 0 : i32
    %sign3A_22 = arith.cmpi slt, %jit3A_11, %sign3A_21 : i32
    %sign3A_23 = arith.extui %sign3A_22 : i1 to i32
    %sign3A_24 = arith.subi %sign3A_20, %sign3A_23 : i32
    %ne3A = arith.cmpi ne, %sign3A_17, %sign3A_24 : i32
    %rem3A = arith.remsi %select_n3A, %jit3A_11 : i32
    %ne3A_25 = arith.constant 0 : i32
    %ne3A_26 = arith.cmpi ne, %rem3A, %ne3A_25 : i32
    %and3A = arith.andi %ne3A, %ne3A_26 : i1
    %sub3A = arith.constant 1 : i32
    %sub3A_27 = arith.subi %div3A, %sub3A : i32
    %select_n3A_28 = arith.select %and3A, %sub3A_27, %div3A : i32
    %while3A = arith.constant 0 : i32
    %while3A_29 = arith.constant 0 : i32
    %while3A_30 = arith.subi %select_n3A_28, %while3A_29 : i32
    %while3A_31 = arith.addi %while3A_29, %while3A_30 : i32
    %while3A_32 = arith.constant 1 : i32
    %while3A_33 = arith.divsi %while3A_30, %while3A_32 : i32
    %while3A_34 = arith.muli %while3A_33, %while3A_32 : i32
    %while3A_35 = arith.addi %while3A_29, %while3A_34 : i32
    %while3A_36 = arith.constant 1 : i32
    scf.for %while3A_43 = %while3A_29 to %while3A_35 step %while3A_36  : i32 {
      %mul3A_44 = arith.constant 16 : i32
      %mul3A_45 = arith.muli %while3A_43, %mul3A_44 : i32
      %add3A_46 = arith.addi %select_n3A_8, %mul3A_45 : i32
      "tpu.region"() ({
        %run_scoped3A = tpu.sem_alloc : memref<!tpu.dma_semaphore, #tpu.memory_space<semaphore_mem>>
        %dma_start3A_67 = arith.constant 0 : i32
        %dma_start3A_68 = tpu.memref_slice %arg3[%add3A_46, %dma_start3A_67] : memref<2560x128xi32, #tpu.memory_space<hbm>> -> memref<16x128xi32, #tpu.memory_space<hbm>>
        %dma_start3A_69 = arith.constant 0 : i32
        %dma_start3A_70 = tpu.memref_slice %arg3[%add3A_46, %dma_start3A_69] : memref<2560x128xi32, #tpu.memory_space<hbm>> -> memref<16x128xi32, #tpu.memory_space<hbm>>
        tpu.enqueue_dma source(%dma_start3A_70 : memref<16x128xi32, #tpu.memory_space<hbm>>) target(%arg7 : memref<16x128xi32, #tpu.memory_space<vmem>>) target_semaphore(%run_scoped3A : memref<!tpu.dma_semaphore, #tpu.memory_space<semaphore_mem>>)
        %dma_wait3A_71 = arith.constant 0 : i32
        %dma_wait3A_72 = tpu.memref_slice %arg3[%add3A_46, %dma_wait3A_71] : memref<2560x128xi32, #tpu.memory_space<hbm>> -> memref<16x128xi32, #tpu.memory_space<hbm>>
        %dma_wait3A_73 = arith.constant 0 : i32
        %dma_wait3A_74 = tpu.memref_slice %arg3[%add3A_46, %dma_wait3A_73] : memref<2560x128xi32, #tpu.memory_space<hbm>> -> memref<16x128xi32, #tpu.memory_space<hbm>>
        tpu.wait_dma2 semaphore(%run_scoped3A : memref<!tpu.dma_semaphore, #tpu.memory_space<semaphore_mem>>) src(%dma_wait3A_74 : memref<16x128xi32, #tpu.memory_space<hbm>>) dst(%arg7 : memref<16x128xi32, #tpu.memory_space<vmem>>)
        tpu.yield
      }) : () -> ()
      %mul3A_47 = arith.constant 16 : i32
      %mul3A_48 = arith.muli %while3A_43, %mul3A_47 : i32
      %add3A_49 = arith.addi %select_n3A_8, %mul3A_48 : i32
      "tpu.region"() ({
        %run_scoped3A = tpu.sem_alloc : memref<!tpu.dma_semaphore, #tpu.memory_space<semaphore_mem>>
        %dma_start3A_67 = arith.constant 0 : i32
        %dma_start3A_68 = tpu.memref_slice %arg4[%add3A_49, %dma_start3A_67] : memref<2560x128xi32, #tpu.memory_space<hbm>> -> memref<16x128xi32, #tpu.memory_space<hbm>>
        %dma_start3A_69 = arith.constant 0 : i32
        %dma_start3A_70 = tpu.memref_slice %arg4[%add3A_49, %dma_start3A_69] : memref<2560x128xi32, #tpu.memory_space<hbm>> -> memref<16x128xi32, #tpu.memory_space<hbm>>
        tpu.enqueue_dma source(%dma_start3A_70 : memref<16x128xi32, #tpu.memory_space<hbm>>) target(%arg8 : memref<16x128xi32, #tpu.memory_space<vmem>>) target_semaphore(%run_scoped3A : memref<!tpu.dma_semaphore, #tpu.memory_space<semaphore_mem>>)
        %dma_wait3A_71 = arith.constant 0 : i32
        %dma_wait3A_72 = tpu.memref_slice %arg4[%add3A_49, %dma_wait3A_71] : memref<2560x128xi32, #tpu.memory_space<hbm>> -> memref<16x128xi32, #tpu.memory_space<hbm>>
        %dma_wait3A_73 = arith.constant 0 : i32
        %dma_wait3A_74 = tpu.memref_slice %arg4[%add3A_49, %dma_wait3A_73] : memref<2560x128xi32, #tpu.memory_space<hbm>> -> memref<16x128xi32, #tpu.memory_space<hbm>>
        tpu.wait_dma2 semaphore(%run_scoped3A : memref<!tpu.dma_semaphore, #tpu.memory_space<semaphore_mem>>) src(%dma_wait3A_74 : memref<16x128xi32, #tpu.memory_space<hbm>>) dst(%arg8 : memref<16x128xi32, #tpu.memory_space<vmem>>)
        tpu.yield
      }) : () -> ()
      %dma_start3A = arith.constant 0 : i32
      %dma_start3A_50 = arith.constant 0 : i32
      %dma_start3A_51 = tpu.memref_slice %arg7[%dma_start3A, %dma_start3A_50] : memref<16x128xi32, #tpu.memory_space<vmem>> -> memref<1x128xi32, #tpu.memory_space<vmem>>
      %dma_start3A_52 = tpu.memref_squeeze %dma_start3A_51 : memref<1x128xi32, #tpu.memory_space<vmem>> -> memref<128xi32, #tpu.memory_space<vmem>>
      %dma_start3A_53 = arith.constant 0 : i32
      %dma_start3A_54 = arith.constant 0 : i32
      %dma_start3A_55 = tpu.memref_slice %arg2[%dma_start3A_53, %dma_start3A_54] : memref<10000x128xf32, #tpu.memory_space<hbm>> -> memref<10000x128xf32, #tpu.memory_space<hbm>>
      tpu.enqueue_indirect_dma source(%dma_start3A_55 : memref<10000x128xf32, #tpu.memory_space<hbm>>) target(%arg9 : memref<128x128xf32, #tpu.memory_space<vmem>>) offsets(%dma_start3A_52 : memref<128xi32, #tpu.memory_space<vmem>>) semaphore(%arg12 : memref<!tpu.dma_semaphore, #tpu.memory_space<semaphore_mem>>)
      %scan3A = arith.constant 0 : i32
      %scan3A_56 = arith.constant 0 : i32
      %scan3A_57 = arith.constant 8 : i32
      %scan3A_58 = arith.addi %scan3A_56, %scan3A_57 : i32
      %scan3A_59 = arith.constant 1 : i32
      scf.for %scan3A_67 = %scan3A_56 to %scan3A_58 step %scan3A_59  : i32 {
        %mul3A_68 = arith.constant 2 : i32
        %mul3A_69 = arith.muli %scan3A_67, %mul3A_68 : i32
        %add3A_70 = arith.constant 0 : i32
        %add3A_71 = arith.addi %mul3A_69, %add3A_70 : i32
        %dma_wait3A_72 = arith.constant 0 : i32
        %dma_wait3A_73 = tpu.memref_slice %arg7[%add3A_71, %dma_wait3A_72] : memref<16x128xi32, #tpu.memory_space<vmem>> -> memref<1x128xi32, #tpu.memory_space<vmem>>
        %dma_wait3A_74 = tpu.memref_squeeze %dma_wait3A_73 : memref<1x128xi32, #tpu.memory_space<vmem>> -> memref<128xi32, #tpu.memory_space<vmem>>
        %dma_wait3A_75 = arith.constant 0 : i32
        %dma_wait3A_76 = arith.constant 0 : i32
        %dma_wait3A_77 = tpu.memref_slice %arg2[%dma_wait3A_75, %dma_wait3A_76] : memref<10000x128xf32, #tpu.memory_space<hbm>> -> memref<10000x128xf32, #tpu.memory_space<hbm>>
        tpu.wait_indirect_dma semaphore(%arg12 : memref<!tpu.dma_semaphore, #tpu.memory_space<semaphore_mem>>) src(%dma_wait3A_77 : memref<10000x128xf32, #tpu.memory_space<hbm>>) dst(%arg9 : memref<128x128xf32, #tpu.memory_space<vmem>>)
        %dma_start3A_78 = arith.constant 0 : i32
        %dma_start3A_79 = tpu.memref_slice %arg8[%add3A_71, %dma_start3A_78] : memref<16x128xi32, #tpu.memory_space<vmem>> -> memref<1x128xi32, #tpu.memory_space<vmem>>
        %dma_start3A_80 = tpu.memref_squeeze %dma_start3A_79 : memref<1x128xi32, #tpu.memory_space<vmem>> -> memref<128xi32, #tpu.memory_space<vmem>>
        %dma_start3A_81 = arith.constant 0 : i32
        %dma_start3A_82 = arith.constant 0 : i32
        %dma_start3A_83 = tpu.memref_slice %arg11[%dma_start3A_81, %dma_start3A_82] : memref<10240x128xf32, #tpu.memory_space<vmem_shared>> -> memref<10240x128xf32, #tpu.memory_space<vmem_shared>>
        tpu.enqueue_indirect_dma source(%arg9 : memref<128x128xf32, #tpu.memory_space<vmem>>) target(%dma_start3A_83 : memref<10240x128xf32, #tpu.memory_space<vmem_shared>>) offsets(%dma_start3A_80 : memref<128xi32, #tpu.memory_space<vmem>>) semaphore(%arg13 : memref<!tpu.dma_semaphore, #tpu.memory_space<semaphore_mem>>) {add = true}
        %ge3A = arith.constant 1 : i32
        %ge3A_84 = arith.cmpi sge, %add3A_71, %ge3A : i32
        %convert_element_type3A = arith.extui %ge3A_84 : i1 to i32
        %cond3A = arith.constant 0 : i32
        %cond3A_85 = arith.cmpi ne, %convert_element_type3A, %cond3A : i32
        scf.if %cond3A_85 {
          %dma_wait3A_120 = arith.constant 0 : i32
          %dma_wait3A_121 = tpu.memref_slice %arg8[%add3A_71, %dma_wait3A_120] : memref<16x128xi32, #tpu.memory_space<vmem>> -> memref<1x128xi32, #tpu.memory_space<vmem>>
          %dma_wait3A_122 = tpu.memref_squeeze %dma_wait3A_121 : memref<1x128xi32, #tpu.memory_space<vmem>> -> memref<128xi32, #tpu.memory_space<vmem>>
          %dma_wait3A_123 = arith.constant 0 : i32
          %dma_wait3A_124 = arith.constant 0 : i32
          %dma_wait3A_125 = tpu.memref_slice %arg11[%dma_wait3A_123, %dma_wait3A_124] : memref<10240x128xf32, #tpu.memory_space<vmem_shared>> -> memref<10240x128xf32, #tpu.memory_space<vmem_shared>>
          tpu.wait_indirect_dma semaphore(%arg13 : memref<!tpu.dma_semaphore, #tpu.memory_space<semaphore_mem>>) src(%arg10 : memref<128x128xf32, #tpu.memory_space<vmem>>) dst(%dma_wait3A_125 : memref<10240x128xf32, #tpu.memory_space<vmem_shared>>)
        } else {
        }
        %add3A_86 = arith.constant 1 : i32
        %add3A_87 = arith.addi %add3A_71, %add3A_86 : i32
        %lt3A = arith.constant 16 : i32
        %lt3A_88 = arith.cmpi slt, %add3A_87, %lt3A : i32
        %convert_element_type3A_89 = arith.extui %lt3A_88 : i1 to i32
        %cond3A_90 = arith.constant 0 : i32
        %cond3A_91 = arith.cmpi ne, %convert_element_type3A_89, %cond3A_90 : i32
        scf.if %cond3A_91 {
          %add3A_120 = arith.constant 1 : i32
          %add3A_121 = arith.addi %add3A_71, %add3A_120 : i32
          %dma_start3A_122 = arith.constant 0 : i32
          %dma_start3A_123 = tpu.memref_slice %arg7[%add3A_121, %dma_start3A_122] : memref<16x128xi32, #tpu.memory_space<vmem>> -> memref<1x128xi32, #tpu.memory_space<vmem>>
          %dma_start3A_124 = tpu.memref_squeeze %dma_start3A_123 : memref<1x128xi32, #tpu.memory_space<vmem>> -> memref<128xi32, #tpu.memory_space<vmem>>
          %dma_start3A_125 = arith.constant 0 : i32
          %dma_start3A_126 = arith.constant 0 : i32
          %dma_start3A_127 = tpu.memref_slice %arg2[%dma_start3A_125, %dma_start3A_126] : memref<10000x128xf32, #tpu.memory_space<hbm>> -> memref<10000x128xf32, #tpu.memory_space<hbm>>
          tpu.enqueue_indirect_dma source(%dma_start3A_127 : memref<10000x128xf32, #tpu.memory_space<hbm>>) target(%arg10 : memref<128x128xf32, #tpu.memory_space<vmem>>) offsets(%dma_start3A_124 : memref<128xi32, #tpu.memory_space<vmem>>) semaphore(%arg12 : memref<!tpu.dma_semaphore, #tpu.memory_space<semaphore_mem>>)
        } else {
        }
        %mul3A_92 = arith.constant 2 : i32
        %mul3A_93 = arith.muli %scan3A_67, %mul3A_92 : i32
        %add3A_94 = arith.constant 1 : i32
        %add3A_95 = arith.addi %mul3A_93, %add3A_94 : i32
        %dma_wait3A_96 = arith.constant 0 : i32
        %dma_wait3A_97 = tpu.memref_slice %arg7[%add3A_95, %dma_wait3A_96] : memref<16x128xi32, #tpu.memory_space<vmem>> -> memref<1x128xi32, #tpu.memory_space<vmem>>
        %dma_wait3A_98 = tpu.memref_squeeze %dma_wait3A_97 : memref<1x128xi32, #tpu.memory_space<vmem>> -> memref<128xi32, #tpu.memory_space<vmem>>
        %dma_wait3A_99 = arith.constant 0 : i32
        %dma_wait3A_100 = arith.constant 0 : i32
        %dma_wait3A_101 = tpu.memref_slice %arg2[%dma_wait3A_99, %dma_wait3A_100] : memref<10000x128xf32, #tpu.memory_space<hbm>> -> memref<10000x128xf32, #tpu.memory_space<hbm>>
        tpu.wait_indirect_dma semaphore(%arg12 : memref<!tpu.dma_semaphore, #tpu.memory_space<semaphore_mem>>) src(%dma_wait3A_101 : memref<10000x128xf32, #tpu.memory_space<hbm>>) dst(%arg10 : memref<128x128xf32, #tpu.memory_space<vmem>>)
        %dma_start3A_102 = arith.constant 0 : i32
        %dma_start3A_103 = tpu.memref_slice %arg8[%add3A_95, %dma_start3A_102] : memref<16x128xi32, #tpu.memory_space<vmem>> -> memref<1x128xi32, #tpu.memory_space<vmem>>
        %dma_start3A_104 = tpu.memref_squeeze %dma_start3A_103 : memref<1x128xi32, #tpu.memory_space<vmem>> -> memref<128xi32, #tpu.memory_space<vmem>>
        %dma_start3A_105 = arith.constant 0 : i32
        %dma_start3A_106 = arith.constant 0 : i32
        %dma_start3A_107 = tpu.memref_slice %arg11[%dma_start3A_105, %dma_start3A_106] : memref<10240x128xf32, #tpu.memory_space<vmem_shared>> -> memref<10240x128xf32, #tpu.memory_space<vmem_shared>>
        tpu.enqueue_indirect_dma source(%arg10 : memref<128x128xf32, #tpu.memory_space<vmem>>) target(%dma_start3A_107 : memref<10240x128xf32, #tpu.memory_space<vmem_shared>>) offsets(%dma_start3A_104 : memref<128xi32, #tpu.memory_space<vmem>>) semaphore(%arg13 : memref<!tpu.dma_semaphore, #tpu.memory_space<semaphore_mem>>) {add = true}
        %ge3A_108 = arith.constant 1 : i32
        %ge3A_109 = arith.cmpi sge, %add3A_95, %ge3A_108 : i32
        %convert_element_type3A_110 = arith.extui %ge3A_109 : i1 to i32
        %cond3A_111 = arith.constant 0 : i32
        %cond3A_112 = arith.cmpi ne, %convert_element_type3A_110, %cond3A_111 : i32
        scf.if %cond3A_112 {
          %dma_wait3A_120 = arith.constant 0 : i32
          %dma_wait3A_121 = tpu.memref_slice %arg8[%add3A_95, %dma_wait3A_120] : memref<16x128xi32, #tpu.memory_space<vmem>> -> memref<1x128xi32, #tpu.memory_space<vmem>>
          %dma_wait3A_122 = tpu.memref_squeeze %dma_wait3A_121 : memref<1x128xi32, #tpu.memory_space<vmem>> -> memref<128xi32, #tpu.memory_space<vmem>>
          %dma_wait3A_123 = arith.constant 0 : i32
          %dma_wait3A_124 = arith.constant 0 : i32
          %dma_wait3A_125 = tpu.memref_slice %arg11[%dma_wait3A_123, %dma_wait3A_124] : memref<10240x128xf32, #tpu.memory_space<vmem_shared>> -> memref<10240x128xf32, #tpu.memory_space<vmem_shared>>
          tpu.wait_indirect_dma semaphore(%arg13 : memref<!tpu.dma_semaphore, #tpu.memory_space<semaphore_mem>>) src(%arg9 : memref<128x128xf32, #tpu.memory_space<vmem>>) dst(%dma_wait3A_125 : memref<10240x128xf32, #tpu.memory_space<vmem_shared>>)
        } else {
        }
        %add3A_113 = arith.constant 1 : i32
        %add3A_114 = arith.addi %add3A_95, %add3A_113 : i32
        %lt3A_115 = arith.constant 16 : i32
        %lt3A_116 = arith.cmpi slt, %add3A_114, %lt3A_115 : i32
        %convert_element_type3A_117 = arith.extui %lt3A_116 : i1 to i32
        %cond3A_118 = arith.constant 0 : i32
        %cond3A_119 = arith.cmpi ne, %convert_element_type3A_117, %cond3A_118 : i32
        scf.if %cond3A_119 {
          %add3A_120 = arith.constant 1 : i32
          %add3A_121 = arith.addi %add3A_95, %add3A_120 : i32
          %dma_start3A_122 = arith.constant 0 : i32
          %dma_start3A_123 = tpu.memref_slice %arg7[%add3A_121, %dma_start3A_122] : memref<16x128xi32, #tpu.memory_space<vmem>> -> memref<1x128xi32, #tpu.memory_space<vmem>>
          %dma_start3A_124 = tpu.memref_squeeze %dma_start3A_123 : memref<1x128xi32, #tpu.memory_space<vmem>> -> memref<128xi32, #tpu.memory_space<vmem>>
          %dma_start3A_125 = arith.constant 0 : i32
          %dma_start3A_126 = arith.constant 0 : i32
          %dma_start3A_127 = tpu.memref_slice %arg2[%dma_start3A_125, %dma_start3A_126] : memref<10000x128xf32, #tpu.memory_space<hbm>> -> memref<10000x128xf32, #tpu.memory_space<hbm>>
          tpu.enqueue_indirect_dma source(%dma_start3A_127 : memref<10000x128xf32, #tpu.memory_space<hbm>>) target(%arg9 : memref<128x128xf32, #tpu.memory_space<vmem>>) offsets(%dma_start3A_124 : memref<128xi32, #tpu.memory_space<vmem>>) semaphore(%arg12 : memref<!tpu.dma_semaphore, #tpu.memory_space<semaphore_mem>>)
        } else {
        }
      }
      %scan3A_60 = arith.constant 8 : i32
      %dma_wait3A = arith.constant 0 : i32
      %dma_wait3A_61 = arith.constant 0 : i32
      %dma_wait3A_62 = tpu.memref_slice %arg8[%dma_wait3A, %dma_wait3A_61] : memref<16x128xi32, #tpu.memory_space<vmem>> -> memref<1x128xi32, #tpu.memory_space<vmem>>
      %dma_wait3A_63 = tpu.memref_squeeze %dma_wait3A_62 : memref<1x128xi32, #tpu.memory_space<vmem>> -> memref<128xi32, #tpu.memory_space<vmem>>
      %dma_wait3A_64 = arith.constant 0 : i32
      %dma_wait3A_65 = arith.constant 0 : i32
      %dma_wait3A_66 = tpu.memref_slice %arg11[%dma_wait3A_64, %dma_wait3A_65] : memref<10240x128xf32, #tpu.memory_space<vmem_shared>> -> memref<10240x128xf32, #tpu.memory_space<vmem_shared>>
      tpu.wait_indirect_dma semaphore(%arg13 : memref<!tpu.dma_semaphore, #tpu.memory_space<semaphore_mem>>) src(%arg9 : memref<128x128xf32, #tpu.memory_space<vmem>>) dst(%dma_wait3A_66 : memref<10240x128xf32, #tpu.memory_space<vmem_shared>>)
    }
    %while3A_37 = arith.constant 1 : i32
    scf.for %while3A_43 = %while3A_35 to %while3A_31 step %while3A_37  : i32 {
      %mul3A_44 = arith.constant 16 : i32
      %mul3A_45 = arith.muli %while3A_43, %mul3A_44 : i32
      %add3A_46 = arith.addi %select_n3A_8, %mul3A_45 : i32
      "tpu.region"() ({
        %run_scoped3A = tpu.sem_alloc : memref<!tpu.dma_semaphore, #tpu.memory_space<semaphore_mem>>
        %dma_start3A_67 = arith.constant 0 : i32
        %dma_start3A_68 = tpu.memref_slice %arg3[%add3A_46, %dma_start3A_67] : memref<2560x128xi32, #tpu.memory_space<hbm>> -> memref<16x128xi32, #tpu.memory_space<hbm>>
        %dma_start3A_69 = arith.constant 0 : i32
        %dma_start3A_70 = tpu.memref_slice %arg3[%add3A_46, %dma_start3A_69] : memref<2560x128xi32, #tpu.memory_space<hbm>> -> memref<16x128xi32, #tpu.memory_space<hbm>>
        tpu.enqueue_dma source(%dma_start3A_70 : memref<16x128xi32, #tpu.memory_space<hbm>>) target(%arg7 : memref<16x128xi32, #tpu.memory_space<vmem>>) target_semaphore(%run_scoped3A : memref<!tpu.dma_semaphore, #tpu.memory_space<semaphore_mem>>)
        %dma_wait3A_71 = arith.constant 0 : i32
        %dma_wait3A_72 = tpu.memref_slice %arg3[%add3A_46, %dma_wait3A_71] : memref<2560x128xi32, #tpu.memory_space<hbm>> -> memref<16x128xi32, #tpu.memory_space<hbm>>
        %dma_wait3A_73 = arith.constant 0 : i32
        %dma_wait3A_74 = tpu.memref_slice %arg3[%add3A_46, %dma_wait3A_73] : memref<2560x128xi32, #tpu.memory_space<hbm>> -> memref<16x128xi32, #tpu.memory_space<hbm>>
        tpu.wait_dma2 semaphore(%run_scoped3A : memref<!tpu.dma_semaphore, #tpu.memory_space<semaphore_mem>>) src(%dma_wait3A_74 : memref<16x128xi32, #tpu.memory_space<hbm>>) dst(%arg7 : memref<16x128xi32, #tpu.memory_space<vmem>>)
        tpu.yield
      }) : () -> ()
      %mul3A_47 = arith.constant 16 : i32
      %mul3A_48 = arith.muli %while3A_43, %mul3A_47 : i32
      %add3A_49 = arith.addi %select_n3A_8, %mul3A_48 : i32
      "tpu.region"() ({
        %run_scoped3A = tpu.sem_alloc : memref<!tpu.dma_semaphore, #tpu.memory_space<semaphore_mem>>
        %dma_start3A_67 = arith.constant 0 : i32
        %dma_start3A_68 = tpu.memref_slice %arg4[%add3A_49, %dma_start3A_67] : memref<2560x128xi32, #tpu.memory_space<hbm>> -> memref<16x128xi32, #tpu.memory_space<hbm>>
        %dma_start3A_69 = arith.constant 0 : i32
        %dma_start3A_70 = tpu.memref_slice %arg4[%add3A_49, %dma_start3A_69] : memref<2560x128xi32, #tpu.memory_space<hbm>> -> memref<16x128xi32, #tpu.memory_space<hbm>>
        tpu.enqueue_dma source(%dma_start3A_70 : memref<16x128xi32, #tpu.memory_space<hbm>>) target(%arg8 : memref<16x128xi32, #tpu.memory_space<vmem>>) target_semaphore(%run_scoped3A : memref<!tpu.dma_semaphore, #tpu.memory_space<semaphore_mem>>)
        %dma_wait3A_71 = arith.constant 0 : i32
        %dma_wait3A_72 = tpu.memref_slice %arg4[%add3A_49, %dma_wait3A_71] : memref<2560x128xi32, #tpu.memory_space<hbm>> -> memref<16x128xi32, #tpu.memory_space<hbm>>
        %dma_wait3A_73 = arith.constant 0 : i32
        %dma_wait3A_74 = tpu.memref_slice %arg4[%add3A_49, %dma_wait3A_73] : memref<2560x128xi32, #tpu.memory_space<hbm>> -> memref<16x128xi32, #tpu.memory_space<hbm>>
        tpu.wait_dma2 semaphore(%run_scoped3A : memref<!tpu.dma_semaphore, #tpu.memory_space<semaphore_mem>>) src(%dma_wait3A_74 : memref<16x128xi32, #tpu.memory_space<hbm>>) dst(%arg8 : memref<16x128xi32, #tpu.memory_space<vmem>>)
        tpu.yield
      }) : () -> ()
      %dma_start3A = arith.constant 0 : i32
      %dma_start3A_50 = arith.constant 0 : i32
      %dma_start3A_51 = tpu.memref_slice %arg7[%dma_start3A, %dma_start3A_50] : memref<16x128xi32, #tpu.memory_space<vmem>> -> memref<1x128xi32, #tpu.memory_space<vmem>>
      %dma_start3A_52 = tpu.memref_squeeze %dma_start3A_51 : memref<1x128xi32, #tpu.memory_space<vmem>> -> memref<128xi32, #tpu.memory_space<vmem>>
      %dma_start3A_53 = arith.constant 0 : i32
      %dma_start3A_54 = arith.constant 0 : i32
      %dma_start3A_55 = tpu.memref_slice %arg2[%dma_start3A_53, %dma_start3A_54] : memref<10000x128xf32, #tpu.memory_space<hbm>> -> memref<10000x128xf32, #tpu.memory_space<hbm>>
      tpu.enqueue_indirect_dma source(%dma_start3A_55 : memref<10000x128xf32, #tpu.memory_space<hbm>>) target(%arg9 : memref<128x128xf32, #tpu.memory_space<vmem>>) offsets(%dma_start3A_52 : memref<128xi32, #tpu.memory_space<vmem>>) semaphore(%arg12 : memref<!tpu.dma_semaphore, #tpu.memory_space<semaphore_mem>>)
      %scan3A = arith.constant 0 : i32
      %scan3A_56 = arith.constant 0 : i32
      %scan3A_57 = arith.constant 8 : i32
      %scan3A_58 = arith.addi %scan3A_56, %scan3A_57 : i32
      %scan3A_59 = arith.constant 1 : i32
      scf.for %scan3A_67 = %scan3A_56 to %scan3A_58 step %scan3A_59  : i32 {
        %mul3A_68 = arith.constant 2 : i32
        %mul3A_69 = arith.muli %scan3A_67, %mul3A_68 : i32
        %add3A_70 = arith.constant 0 : i32
        %add3A_71 = arith.addi %mul3A_69, %add3A_70 : i32
        %dma_wait3A_72 = arith.constant 0 : i32
        %dma_wait3A_73 = tpu.memref_slice %arg7[%add3A_71, %dma_wait3A_72] : memref<16x128xi32, #tpu.memory_space<vmem>> -> memref<1x128xi32, #tpu.memory_space<vmem>>
        %dma_wait3A_74 = tpu.memref_squeeze %dma_wait3A_73 : memref<1x128xi32, #tpu.memory_space<vmem>> -> memref<128xi32, #tpu.memory_space<vmem>>
        %dma_wait3A_75 = arith.constant 0 : i32
        %dma_wait3A_76 = arith.constant 0 : i32
        %dma_wait3A_77 = tpu.memref_slice %arg2[%dma_wait3A_75, %dma_wait3A_76] : memref<10000x128xf32, #tpu.memory_space<hbm>> -> memref<10000x128xf32, #tpu.memory_space<hbm>>
        tpu.wait_indirect_dma semaphore(%arg12 : memref<!tpu.dma_semaphore, #tpu.memory_space<semaphore_mem>>) src(%dma_wait3A_77 : memref<10000x128xf32, #tpu.memory_space<hbm>>) dst(%arg9 : memref<128x128xf32, #tpu.memory_space<vmem>>)
        %dma_start3A_78 = arith.constant 0 : i32
        %dma_start3A_79 = tpu.memref_slice %arg8[%add3A_71, %dma_start3A_78] : memref<16x128xi32, #tpu.memory_space<vmem>> -> memref<1x128xi32, #tpu.memory_space<vmem>>
        %dma_start3A_80 = tpu.memref_squeeze %dma_start3A_79 : memref<1x128xi32, #tpu.memory_space<vmem>> -> memref<128xi32, #tpu.memory_space<vmem>>
        %dma_start3A_81 = arith.constant 0 : i32
        %dma_start3A_82 = arith.constant 0 : i32
        %dma_start3A_83 = tpu.memref_slice %arg11[%dma_start3A_81, %dma_start3A_82] : memref<10240x128xf32, #tpu.memory_space<vmem_shared>> -> memref<10240x128xf32, #tpu.memory_space<vmem_shared>>
        tpu.enqueue_indirect_dma source(%arg9 : memref<128x128xf32, #tpu.memory_space<vmem>>) target(%dma_start3A_83 : memref<10240x128xf32, #tpu.memory_space<vmem_shared>>) offsets(%dma_start3A_80 : memref<128xi32, #tpu.memory_space<vmem>>) semaphore(%arg13 : memref<!tpu.dma_semaphore, #tpu.memory_space<semaphore_mem>>) {add = true}
        %ge3A = arith.constant 1 : i32
        %ge3A_84 = arith.cmpi sge, %add3A_71, %ge3A : i32
        %convert_element_type3A = arith.extui %ge3A_84 : i1 to i32
        %cond3A = arith.constant 0 : i32
        %cond3A_85 = arith.cmpi ne, %convert_element_type3A, %cond3A : i32
        scf.if %cond3A_85 {
          %dma_wait3A_120 = arith.constant 0 : i32
          %dma_wait3A_121 = tpu.memref_slice %arg8[%add3A_71, %dma_wait3A_120] : memref<16x128xi32, #tpu.memory_space<vmem>> -> memref<1x128xi32, #tpu.memory_space<vmem>>
          %dma_wait3A_122 = tpu.memref_squeeze %dma_wait3A_121 : memref<1x128xi32, #tpu.memory_space<vmem>> -> memref<128xi32, #tpu.memory_space<vmem>>
          %dma_wait3A_123 = arith.constant 0 : i32
          %dma_wait3A_124 = arith.constant 0 : i32
          %dma_wait3A_125 = tpu.memref_slice %arg11[%dma_wait3A_123, %dma_wait3A_124] : memref<10240x128xf32, #tpu.memory_space<vmem_shared>> -> memref<10240x128xf32, #tpu.memory_space<vmem_shared>>
          tpu.wait_indirect_dma semaphore(%arg13 : memref<!tpu.dma_semaphore, #tpu.memory_space<semaphore_mem>>) src(%arg10 : memref<128x128xf32, #tpu.memory_space<vmem>>) dst(%dma_wait3A_125 : memref<10240x128xf32, #tpu.memory_space<vmem_shared>>)
        } else {
        }
        %add3A_86 = arith.constant 1 : i32
        %add3A_87 = arith.addi %add3A_71, %add3A_86 : i32
        %lt3A = arith.constant 16 : i32
        %lt3A_88 = arith.cmpi slt, %add3A_87, %lt3A : i32
        %convert_element_type3A_89 = arith.extui %lt3A_88 : i1 to i32
        %cond3A_90 = arith.constant 0 : i32
        %cond3A_91 = arith.cmpi ne, %convert_element_type3A_89, %cond3A_90 : i32
        scf.if %cond3A_91 {
          %add3A_120 = arith.constant 1 : i32
          %add3A_121 = arith.addi %add3A_71, %add3A_120 : i32
          %dma_start3A_122 = arith.constant 0 : i32
          %dma_start3A_123 = tpu.memref_slice %arg7[%add3A_121, %dma_start3A_122] : memref<16x128xi32, #tpu.memory_space<vmem>> -> memref<1x128xi32, #tpu.memory_space<vmem>>
          %dma_start3A_124 = tpu.memref_squeeze %dma_start3A_123 : memref<1x128xi32, #tpu.memory_space<vmem>> -> memref<128xi32, #tpu.memory_space<vmem>>
          %dma_start3A_125 = arith.constant 0 : i32
          %dma_start3A_126 = arith.constant 0 : i32
          %dma_start3A_127 = tpu.memref_slice %arg2[%dma_start3A_125, %dma_start3A_126] : memref<10000x128xf32, #tpu.memory_space<hbm>> -> memref<10000x128xf32, #tpu.memory_space<hbm>>
          tpu.enqueue_indirect_dma source(%dma_start3A_127 : memref<10000x128xf32, #tpu.memory_space<hbm>>) target(%arg10 : memref<128x128xf32, #tpu.memory_space<vmem>>) offsets(%dma_start3A_124 : memref<128xi32, #tpu.memory_space<vmem>>) semaphore(%arg12 : memref<!tpu.dma_semaphore, #tpu.memory_space<semaphore_mem>>)
        } else {
        }
        %mul3A_92 = arith.constant 2 : i32
        %mul3A_93 = arith.muli %scan3A_67, %mul3A_92 : i32
        %add3A_94 = arith.constant 1 : i32
        %add3A_95 = arith.addi %mul3A_93, %add3A_94 : i32
        %dma_wait3A_96 = arith.constant 0 : i32
        %dma_wait3A_97 = tpu.memref_slice %arg7[%add3A_95, %dma_wait3A_96] : memref<16x128xi32, #tpu.memory_space<vmem>> -> memref<1x128xi32, #tpu.memory_space<vmem>>
        %dma_wait3A_98 = tpu.memref_squeeze %dma_wait3A_97 : memref<1x128xi32, #tpu.memory_space<vmem>> -> memref<128xi32, #tpu.memory_space<vmem>>
        %dma_wait3A_99 = arith.constant 0 : i32
        %dma_wait3A_100 = arith.constant 0 : i32
        %dma_wait3A_101 = tpu.memref_slice %arg2[%dma_wait3A_99, %dma_wait3A_100] : memref<10000x128xf32, #tpu.memory_space<hbm>> -> memref<10000x128xf32, #tpu.memory_space<hbm>>
        tpu.wait_indirect_dma semaphore(%arg12 : memref<!tpu.dma_semaphore, #tpu.memory_space<semaphore_mem>>) src(%dma_wait3A_101 : memref<10000x128xf32, #tpu.memory_space<hbm>>) dst(%arg10 : memref<128x128xf32, #tpu.memory_space<vmem>>)
        %dma_start3A_102 = arith.constant 0 : i32
        %dma_start3A_103 = tpu.memref_slice %arg8[%add3A_95, %dma_start3A_102] : memref<16x128xi32, #tpu.memory_space<vmem>> -> memref<1x128xi32, #tpu.memory_space<vmem>>
        %dma_start3A_104 = tpu.memref_squeeze %dma_start3A_103 : memref<1x128xi32, #tpu.memory_space<vmem>> -> memref<128xi32, #tpu.memory_space<vmem>>
        %dma_start3A_105 = arith.constant 0 : i32
        %dma_start3A_106 = arith.constant 0 : i32
        %dma_start3A_107 = tpu.memref_slice %arg11[%dma_start3A_105, %dma_start3A_106] : memref<10240x128xf32, #tpu.memory_space<vmem_shared>> -> memref<10240x128xf32, #tpu.memory_space<vmem_shared>>
        tpu.enqueue_indirect_dma source(%arg10 : memref<128x128xf32, #tpu.memory_space<vmem>>) target(%dma_start3A_107 : memref<10240x128xf32, #tpu.memory_space<vmem_shared>>) offsets(%dma_start3A_104 : memref<128xi32, #tpu.memory_space<vmem>>) semaphore(%arg13 : memref<!tpu.dma_semaphore, #tpu.memory_space<semaphore_mem>>) {add = true}
        %ge3A_108 = arith.constant 1 : i32
        %ge3A_109 = arith.cmpi sge, %add3A_95, %ge3A_108 : i32
        %convert_element_type3A_110 = arith.extui %ge3A_109 : i1 to i32
        %cond3A_111 = arith.constant 0 : i32
        %cond3A_112 = arith.cmpi ne, %convert_element_type3A_110, %cond3A_111 : i32
        scf.if %cond3A_112 {
          %dma_wait3A_120 = arith.constant 0 : i32
          %dma_wait3A_121 = tpu.memref_slice %arg8[%add3A_95, %dma_wait3A_120] : memref<16x128xi32, #tpu.memory_space<vmem>> -> memref<1x128xi32, #tpu.memory_space<vmem>>
          %dma_wait3A_122 = tpu.memref_squeeze %dma_wait3A_121 : memref<1x128xi32, #tpu.memory_space<vmem>> -> memref<128xi32, #tpu.memory_space<vmem>>
          %dma_wait3A_123 = arith.constant 0 : i32
          %dma_wait3A_124 = arith.constant 0 : i32
          %dma_wait3A_125 = tpu.memref_slice %arg11[%dma_wait3A_123, %dma_wait3A_124] : memref<10240x128xf32, #tpu.memory_space<vmem_shared>> -> memref<10240x128xf32, #tpu.memory_space<vmem_shared>>
          tpu.wait_indirect_dma semaphore(%arg13 : memref<!tpu.dma_semaphore, #tpu.memory_space<semaphore_mem>>) src(%arg9 : memref<128x128xf32, #tpu.memory_space<vmem>>) dst(%dma_wait3A_125 : memref<10240x128xf32, #tpu.memory_space<vmem_shared>>)
        } else {
        }
        %add3A_113 = arith.constant 1 : i32
        %add3A_114 = arith.addi %add3A_95, %add3A_113 : i32
        %lt3A_115 = arith.constant 16 : i32
        %lt3A_116 = arith.cmpi slt, %add3A_114, %lt3A_115 : i32
        %convert_element_type3A_117 = arith.extui %lt3A_116 : i1 to i32
        %cond3A_118 = arith.constant 0 : i32
        %cond3A_119 = arith.cmpi ne, %convert_element_type3A_117, %cond3A_118 : i32
        scf.if %cond3A_119 {
          %add3A_120 = arith.constant 1 : i32
          %add3A_121 = arith.addi %add3A_95, %add3A_120 : i32
          %dma_start3A_122 = arith.constant 0 : i32
          %dma_start3A_123 = tpu.memref_slice %arg7[%add3A_121, %dma_start3A_122] : memref<16x128xi32, #tpu.memory_space<vmem>> -> memref<1x128xi32, #tpu.memory_space<vmem>>
          %dma_start3A_124 = tpu.memref_squeeze %dma_start3A_123 : memref<1x128xi32, #tpu.memory_space<vmem>> -> memref<128xi32, #tpu.memory_space<vmem>>
          %dma_start3A_125 = arith.constant 0 : i32
          %dma_start3A_126 = arith.constant 0 : i32
          %dma_start3A_127 = tpu.memref_slice %arg2[%dma_start3A_125, %dma_start3A_126] : memref<10000x128xf32, #tpu.memory_space<hbm>> -> memref<10000x128xf32, #tpu.memory_space<hbm>>
          tpu.enqueue_indirect_dma source(%dma_start3A_127 : memref<10000x128xf32, #tpu.memory_space<hbm>>) target(%arg9 : memref<128x128xf32, #tpu.memory_space<vmem>>) offsets(%dma_start3A_124 : memref<128xi32, #tpu.memory_space<vmem>>) semaphore(%arg12 : memref<!tpu.dma_semaphore, #tpu.memory_space<semaphore_mem>>)
        } else {
        }
      }
      %scan3A_60 = arith.constant 8 : i32
      %dma_wait3A = arith.constant 0 : i32
      %dma_wait3A_61 = arith.constant 0 : i32
      %dma_wait3A_62 = tpu.memref_slice %arg8[%dma_wait3A, %dma_wait3A_61] : memref<16x128xi32, #tpu.memory_space<vmem>> -> memref<1x128xi32, #tpu.memory_space<vmem>>
      %dma_wait3A_63 = tpu.memref_squeeze %dma_wait3A_62 : memref<1x128xi32, #tpu.memory_space<vmem>> -> memref<128xi32, #tpu.memory_space<vmem>>
      %dma_wait3A_64 = arith.constant 0 : i32
      %dma_wait3A_65 = arith.constant 0 : i32
      %dma_wait3A_66 = tpu.memref_slice %arg11[%dma_wait3A_64, %dma_wait3A_65] : memref<10240x128xf32, #tpu.memory_space<vmem_shared>> -> memref<10240x128xf32, #tpu.memory_space<vmem_shared>>
      tpu.wait_indirect_dma semaphore(%arg13 : memref<!tpu.dma_semaphore, #tpu.memory_space<semaphore_mem>>) src(%arg9 : memref<128x128xf32, #tpu.memory_space<vmem>>) dst(%dma_wait3A_66 : memref<10240x128xf32, #tpu.memory_space<vmem_shared>>)
    }
    %barrier3A_38 = arith.constant 0 : index
    tpu.barrier barrier_id(%barrier3A_38)
    %mul3A_39 = arith.constant 640 : i32
    %mul3A_40 = arith.muli %arg1, %mul3A_39 : i32
    %mul3A_41 = arith.constant 640 : i32
    %mul3A_42 = arith.muli %arg1, %mul3A_41 : i32
    "tpu.region"() ({
      %run_scoped3A = tpu.sem_alloc : memref<!tpu.dma_semaphore, #tpu.memory_space<semaphore_mem>>
      %dma_start3A = arith.constant 0 : i32
      %dma_start3A_43 = tpu.memref_slice %arg6[%arg0, %mul3A_42, %dma_start3A] : memref<2x10240x128xf32, #tpu.memory_space<hbm>> -> memref<1x640x128xf32, #tpu.memory_space<hbm>>
      %dma_start3A_44 = tpu.memref_squeeze %dma_start3A_43 : memref<1x640x128xf32, #tpu.memory_space<hbm>> -> memref<640x128xf32, #tpu.memory_space<hbm>>
      %dma_start3A_45 = arith.constant 0 : i32
      %dma_start3A_46 = tpu.memref_slice %arg11[%mul3A_40, %dma_start3A_45] : memref<10240x128xf32, #tpu.memory_space<vmem_shared>> -> memref<640x128xf32, #tpu.memory_space<vmem_shared>>
      tpu.enqueue_dma source(%dma_start3A_46 : memref<640x128xf32, #tpu.memory_space<vmem_shared>>) target(%dma_start3A_44 : memref<640x128xf32, #tpu.memory_space<hbm>>) target_semaphore(%run_scoped3A : memref<!tpu.dma_semaphore, #tpu.memory_space<semaphore_mem>>)
      %dma_wait3A = arith.constant 0 : i32
      %dma_wait3A_47 = tpu.memref_slice %arg6[%arg0, %mul3A_42, %dma_wait3A] : memref<2x10240x128xf32, #tpu.memory_space<hbm>> -> memref<1x640x128xf32, #tpu.memory_space<hbm>>
      %dma_wait3A_48 = tpu.memref_squeeze %dma_wait3A_47 : memref<1x640x128xf32, #tpu.memory_space<hbm>> -> memref<640x128xf32, #tpu.memory_space<hbm>>
      %dma_wait3A_49 = arith.constant 0 : i32
      %dma_wait3A_50 = tpu.memref_slice %arg11[%mul3A_40, %dma_wait3A_49] : memref<10240x128xf32, #tpu.memory_space<vmem_shared>> -> memref<640x128xf32, #tpu.memory_space<vmem_shared>>
      tpu.wait_dma2 semaphore(%run_scoped3A : memref<!tpu.dma_semaphore, #tpu.memory_space<semaphore_mem>>) src(%dma_wait3A_50 : memref<640x128xf32, #tpu.memory_space<vmem_shared>>) dst(%dma_wait3A_48 : memref<640x128xf32, #tpu.memory_space<hbm>>)
      tpu.yield
    }) : () -> ()
    return
  }
}

module attributes {stable_mosaic.version = 14 : i64} {
  func.func @_tc0_body(%arg0: memref<10000x128xf32, #tpu.memory_space<vmem>>, %arg1: memref<128x128xf32, #tpu.memory_space<vmem>>, %arg2: memref<10000x128xf32, #tpu.memory_space<vmem>>) attributes {dimension_semantics = [], scalar_prefetch = 0 : i64, scratch_operands = 0 : i64, tpu.core_type = #tpu.core_type<tc>} {
    %get3A = arith.constant 0 : index
    %get3A_0 = arith.constant 0 : index
    %get3A_1 = vector.load %arg0[%get3A, %get3A_0] : memref<10000x128xf32, #tpu.memory_space<vmem>>, vector<10000x128xf32>
    %get3A_2 = arith.constant 0 : index
    %get3A_3 = arith.constant 0 : index
    %get3A_4 = vector.load %arg1[%get3A_2, %get3A_3] : memref<128x128xf32, #tpu.memory_space<vmem>>, vector<128x128xf32>
    %dot_general3A = arith.constant dense<0.000000e+00> : vector<10000x128xf32>
    %dot_general3A_5 = tpu.matmul %get3A_1, %get3A_4, %dot_general3A {dimension_numbers = #tpu.dot_dimension_numbers<[1], [0], [0], [1], [0, 0, 1, 1], [], []>, precision = #tpu.contract_precision<fp32>, transpose_lhs_hint = false} : vector<10000x128xf32>, vector<128x128xf32>, vector<10000x128xf32> -> vector<10000x128xf32>
    %swap3A = arith.constant 0 : index
    %swap3A_6 = arith.constant 0 : index
    %swap3A_7 = vector.load %arg2[%swap3A, %swap3A_6] : memref<10000x128xf32, #tpu.memory_space<vmem>>, vector<10000x128xf32>
    tpu.vector_store %arg2[%swap3A, %swap3A_6], %dot_general3A_5 {strides = array<i32>} : memref<10000x128xf32, #tpu.memory_space<vmem>>, vector<10000x128xf32>,
    return
  }
}

module attributes {stable_mosaic.version = 14 : i64} {
  func.func @_tc1_body(%arg0: memref<10000x128xf32, #tpu.memory_space<vmem>>, %arg1: memref<20480xf32, #tpu.memory_space<vmem>>, %arg2: memref<10000x128xf32, #tpu.memory_space<vmem>>, %arg3: memref<10000x128xf32, #tpu.memory_space<vmem>>) attributes {dimension_semantics = [], scalar_prefetch = 0 : i64, scratch_operands = 0 : i64, tpu.core_type = #tpu.core_type<tc>} {
    %get3A = arith.constant 0 : index
    %get3A_0 = vector.load %arg1[%get3A] : memref<20480xf32, #tpu.memory_space<vmem>>, vector<10000xf32>
    %get3A_1 = arith.constant 10240 : index
    %get3A_2 = vector.load %arg1[%get3A_1] : memref<20480xf32, #tpu.memory_space<vmem>>, vector<10000xf32>
    %add3A = arith.addf %get3A_0, %get3A_2 : vector<10000xf32>
    %add3A_3 = arith.constant 1.000000e+00 : f32
    %add3A_4 = vector.broadcast %add3A_3 : f32 to vector<10000xf32>
    %add3A_5 = arith.addf %add3A, %add3A_4 : vector<10000xf32>
    %rsqrt3A = math.rsqrt %add3A_5 : vector<10000xf32>
    %reshape3A = vector.shape_cast %rsqrt3A : vector<10000xf32> to vector<10000x1xf32>
    %broadcast_in_dim3A = vector.shape_cast %reshape3A : vector<10000x1xf32> to vector<10000x1xf32>
    %broadcast_in_dim3A_6 = vector.broadcast %broadcast_in_dim3A : vector<10000x1xf32> to vector<10000x128xf32>
    %get3A_7 = arith.constant 0 : index
    %get3A_8 = arith.constant 0 : index
    %get3A_9 = vector.load %arg0[%get3A_7, %get3A_8] : memref<10000x128xf32, #tpu.memory_space<vmem>>, vector<10000x128xf32>
    %mul3A = arith.mulf %get3A_9, %broadcast_in_dim3A_6 : vector<10000x128xf32>
    %swap3A = arith.constant 0 : index
    %swap3A_10 = arith.constant 0 : index
    %swap3A_11 = vector.load %arg2[%swap3A, %swap3A_10] : memref<10000x128xf32, #tpu.memory_space<vmem>>, vector<10000x128xf32>
    tpu.vector_store %arg2[%swap3A, %swap3A_10], %mul3A {strides = array<i32>} : memref<10000x128xf32, #tpu.memory_space<vmem>>, vector<10000x128xf32>,
    %swap3A_12 = arith.constant 0 : index
    %swap3A_13 = arith.constant 0 : index
    %swap3A_14 = vector.load %arg3[%swap3A_12, %swap3A_13] : memref<10000x128xf32, #tpu.memory_space<vmem>>, vector<10000x128xf32>
    tpu.vector_store %arg3[%swap3A_12, %swap3A_13], %broadcast_in_dim3A_6 {strides = array<i32>} : memref<10000x128xf32, #tpu.memory_space<vmem>>, vector<10000x128xf32>,
    return
  }
}

module attributes {stable_mosaic.version = 14 : i64} {
  func.func @_tc2_body(%arg0: memref<2x10240x128xf32, #tpu.memory_space<vmem>>, %arg1: memref<10000x128xf32, #tpu.memory_space<vmem>>, %arg2: memref<10000x128xf32, #tpu.memory_space<vmem>>, %arg3: memref<1x128xf32, #tpu.memory_space<vmem>>, %arg4: memref<1x128xf32, #tpu.memory_space<vmem>>, %arg5: memref<1x128xf32, #tpu.memory_space<vmem>>, %arg6: memref<128x128xf32, #tpu.memory_space<vmem>>, %arg7: memref<10000x128xf32, #tpu.memory_space<vmem>>) attributes {dimension_semantics = [], scalar_prefetch = 0 : i64, scratch_operands = 0 : i64, tpu.core_type = #tpu.core_type<tc>} {
    %get3A = arith.constant 0 : index
    %get3A_0 = arith.constant 0 : index
    %get3A_1 = arith.constant 0 : index
    %get3A_2 = vector.load %arg0[%get3A, %get3A_0, %get3A_1] : memref<2x10240x128xf32, #tpu.memory_space<vmem>>, vector<1x10000x128xf32>
    %get3A_3 = vector.shape_cast %get3A_2 : vector<1x10000x128xf32> to vector<10000x128xf32>
    %get3A_4 = arith.constant 1 : index
    %get3A_5 = arith.constant 0 : index
    %get3A_6 = arith.constant 0 : index
    %get3A_7 = vector.load %arg0[%get3A_4, %get3A_5, %get3A_6] : memref<2x10240x128xf32, #tpu.memory_space<vmem>>, vector<1x10000x128xf32>
    %get3A_8 = vector.shape_cast %get3A_7 : vector<1x10000x128xf32> to vector<10000x128xf32>
    %add3A = arith.addf %get3A_3, %get3A_8 : vector<10000x128xf32>
    %get3A_9 = arith.constant 0 : index
    %get3A_10 = arith.constant 0 : index
    %get3A_11 = vector.load %arg1[%get3A_9, %get3A_10] : memref<10000x128xf32, #tpu.memory_space<vmem>>, vector<10000x128xf32>
    %add3A_12 = arith.addf %add3A, %get3A_11 : vector<10000x128xf32>
    %get3A_13 = arith.constant 0 : index
    %get3A_14 = arith.constant 0 : index
    %get3A_15 = vector.load %arg2[%get3A_13, %get3A_14] : memref<10000x128xf32, #tpu.memory_space<vmem>>, vector<10000x128xf32>
    %mul3A = arith.mulf %add3A_12, %get3A_15 : vector<10000x128xf32>
    %get3A_16 = arith.constant 0 : index
    %get3A_17 = arith.constant 0 : index
    %get3A_18 = vector.load %arg3[%get3A_16, %get3A_17] : memref<1x128xf32, #tpu.memory_space<vmem>>, vector<1x128xf32>
    %add3A_19 = vector.broadcast %get3A_18 : vector<1x128xf32> to vector<10000x128xf32>
    %add3A_20 = arith.addf %mul3A, %add3A_19 : vector<10000x128xf32>
    %get3A_21 = arith.constant 0 : index
    %get3A_22 = arith.constant 0 : index
    %get3A_23 = vector.load %arg4[%get3A_21, %get3A_22] : memref<1x128xf32, #tpu.memory_space<vmem>>, vector<1x128xf32>
    %get3A_24 = arith.constant 0 : index
    %get3A_25 = arith.constant 0 : index
    %get3A_26 = vector.load %arg5[%get3A_24, %get3A_25] : memref<1x128xf32, #tpu.memory_space<vmem>>, vector<1x128xf32>
    %reduce_sum3A = arith.constant dense<0.000000e+00> : vector<128xf32>
    %reduce_sum3A_27 = vector.multi_reduction <add>, %add3A_20, %reduce_sum3A [0] : vector<10000x128xf32> to vector<128xf32>
    %broadcast_in_dim3A = vector.shape_cast %reduce_sum3A_27 : vector<128xf32> to vector<1x128xf32>
    %div3A = arith.constant 1.000000e+04 : f32
    %div3A_28 = vector.broadcast %div3A : f32 to vector<1x128xf32>
    %div3A_29 = arith.divf %broadcast_in_dim3A, %div3A_28 : vector<1x128xf32>
    %sub3A = vector.broadcast %div3A_29 : vector<1x128xf32> to vector<10000x128xf32>
    %sub3A_30 = arith.subf %add3A_20, %sub3A : vector<10000x128xf32>
    %mul3A_31 = arith.mulf %sub3A_30, %sub3A_30 : vector<10000x128xf32>
    %reduce_sum3A_32 = arith.constant dense<0.000000e+00> : vector<128xf32>
    %reduce_sum3A_33 = vector.multi_reduction <add>, %mul3A_31, %reduce_sum3A_32 [0] : vector<10000x128xf32> to vector<128xf32>
    %broadcast_in_dim3A_34 = vector.shape_cast %reduce_sum3A_33 : vector<128xf32> to vector<1x128xf32>
    %div3A_35 = arith.constant 1.000000e+04 : f32
    %div3A_36 = vector.broadcast %div3A_35 : f32 to vector<1x128xf32>
    %div3A_37 = arith.divf %broadcast_in_dim3A_34, %div3A_36 : vector<1x128xf32>
    %add3A_38 = arith.constant 9.99999974E-6 : f32
    %add3A_39 = vector.broadcast %add3A_38 : f32 to vector<1x128xf32>
    %add3A_40 = arith.addf %div3A_37, %add3A_39 : vector<1x128xf32>
    %rsqrt3A = math.rsqrt %add3A_40 : vector<1x128xf32>
    %mul3A_41 = vector.broadcast %rsqrt3A : vector<1x128xf32> to vector<10000x128xf32>
    %mul3A_42 = arith.mulf %sub3A_30, %mul3A_41 : vector<10000x128xf32>
    %mul3A_43 = vector.broadcast %get3A_23 : vector<1x128xf32> to vector<10000x128xf32>
    %mul3A_44 = arith.mulf %mul3A_42, %mul3A_43 : vector<10000x128xf32>
    %add3A_45 = vector.broadcast %get3A_26 : vector<1x128xf32> to vector<10000x128xf32>
    %add3A_46 = arith.addf %mul3A_44, %add3A_45 : vector<10000x128xf32>
    %max3A = arith.constant 0.000000e+00 : f32
    %max3A_47 = vector.broadcast %max3A : f32 to vector<10000x128xf32>
    %max3A_48 = arith.maximumf %add3A_46, %max3A_47 : vector<10000x128xf32>
    %get3A_49 = arith.constant 0 : index
    %get3A_50 = arith.constant 0 : index
    %get3A_51 = vector.load %arg6[%get3A_49, %get3A_50] : memref<128x128xf32, #tpu.memory_space<vmem>>, vector<128x128xf32>
    %dot_general3A = arith.constant dense<0.000000e+00> : vector<10000x128xf32>
    %dot_general3A_52 = tpu.matmul %max3A_48, %get3A_51, %dot_general3A {dimension_numbers = #tpu.dot_dimension_numbers<[1], [0], [0], [1], [0, 0, 1, 1], [], []>, precision = #tpu.contract_precision<fp32>, transpose_lhs_hint = false} : vector<10000x128xf32>, vector<128x128xf32>, vector<10000x128xf32> -> vector<10000x128xf32>
    %get3A_53 = arith.constant 0 : index
    %get3A_54 = arith.constant 0 : index
    %get3A_55 = vector.load %arg2[%get3A_53, %get3A_54] : memref<10000x128xf32, #tpu.memory_space<vmem>>, vector<10000x128xf32>
    %mul3A_56 = arith.mulf %dot_general3A_52, %get3A_55 : vector<10000x128xf32>
    %swap3A = arith.constant 0 : index
    %swap3A_57 = arith.constant 0 : index
    %swap3A_58 = vector.load %arg7[%swap3A, %swap3A_57] : memref<10000x128xf32, #tpu.memory_space<vmem>>, vector<10000x128xf32>
    tpu.vector_store %arg7[%swap3A, %swap3A_57], %mul3A_56 {strides = array<i32>} : memref<10000x128xf32, #tpu.memory_space<vmem>>, vector<10000x128xf32>,
    return
  }
}

module attributes {stable_mosaic.version = 14 : i64} {
  func.func @_tc3_body(%arg0: memref<2x10240x128xf32, #tpu.memory_space<vmem>>, %arg1: memref<10000x128xf32, #tpu.memory_space<vmem>>, %arg2: memref<10000x128xf32, #tpu.memory_space<vmem>>, %arg3: memref<1x128xf32, #tpu.memory_space<vmem>>, %arg4: memref<1x128xf32, #tpu.memory_space<vmem>>, %arg5: memref<1x128xf32, #tpu.memory_space<vmem>>, %arg6: memref<128x1xf32, #tpu.memory_space<vmem>>, %arg7: memref<1x1xf32, #tpu.memory_space<vmem>>, %arg8: memref<10000x1xf32, #tpu.memory_space<vmem>>) attributes {dimension_semantics = [], scalar_prefetch = 0 : i64, scratch_operands = 0 : i64, tpu.core_type = #tpu.core_type<tc>} {
    %get3A = arith.constant 0 : index
    %get3A_0 = arith.constant 0 : index
    %get3A_1 = arith.constant 0 : index
    %get3A_2 = vector.load %arg0[%get3A, %get3A_0, %get3A_1] : memref<2x10240x128xf32, #tpu.memory_space<vmem>>, vector<1x10000x128xf32>
    %get3A_3 = vector.shape_cast %get3A_2 : vector<1x10000x128xf32> to vector<10000x128xf32>
    %get3A_4 = arith.constant 1 : index
    %get3A_5 = arith.constant 0 : index
    %get3A_6 = arith.constant 0 : index
    %get3A_7 = vector.load %arg0[%get3A_4, %get3A_5, %get3A_6] : memref<2x10240x128xf32, #tpu.memory_space<vmem>>, vector<1x10000x128xf32>
    %get3A_8 = vector.shape_cast %get3A_7 : vector<1x10000x128xf32> to vector<10000x128xf32>
    %add3A = arith.addf %get3A_3, %get3A_8 : vector<10000x128xf32>
    %get3A_9 = arith.constant 0 : index
    %get3A_10 = arith.constant 0 : index
    %get3A_11 = vector.load %arg1[%get3A_9, %get3A_10] : memref<10000x128xf32, #tpu.memory_space<vmem>>, vector<10000x128xf32>
    %add3A_12 = arith.addf %add3A, %get3A_11 : vector<10000x128xf32>
    %get3A_13 = arith.constant 0 : index
    %get3A_14 = arith.constant 0 : index
    %get3A_15 = vector.load %arg2[%get3A_13, %get3A_14] : memref<10000x128xf32, #tpu.memory_space<vmem>>, vector<10000x128xf32>
    %mul3A = arith.mulf %add3A_12, %get3A_15 : vector<10000x128xf32>
    %get3A_16 = arith.constant 0 : index
    %get3A_17 = arith.constant 0 : index
    %get3A_18 = vector.load %arg3[%get3A_16, %get3A_17] : memref<1x128xf32, #tpu.memory_space<vmem>>, vector<1x128xf32>
    %add3A_19 = vector.broadcast %get3A_18 : vector<1x128xf32> to vector<10000x128xf32>
    %add3A_20 = arith.addf %mul3A, %add3A_19 : vector<10000x128xf32>
    %get3A_21 = arith.constant 0 : index
    %get3A_22 = arith.constant 0 : index
    %get3A_23 = vector.load %arg4[%get3A_21, %get3A_22] : memref<1x128xf32, #tpu.memory_space<vmem>>, vector<1x128xf32>
    %get3A_24 = arith.constant 0 : index
    %get3A_25 = arith.constant 0 : index
    %get3A_26 = vector.load %arg5[%get3A_24, %get3A_25] : memref<1x128xf32, #tpu.memory_space<vmem>>, vector<1x128xf32>
    %reduce_sum3A = arith.constant dense<0.000000e+00> : vector<128xf32>
    %reduce_sum3A_27 = vector.multi_reduction <add>, %add3A_20, %reduce_sum3A [0] : vector<10000x128xf32> to vector<128xf32>
    %broadcast_in_dim3A = vector.shape_cast %reduce_sum3A_27 : vector<128xf32> to vector<1x128xf32>
    %div3A = arith.constant 1.000000e+04 : f32
    %div3A_28 = vector.broadcast %div3A : f32 to vector<1x128xf32>
    %div3A_29 = arith.divf %broadcast_in_dim3A, %div3A_28 : vector<1x128xf32>
    %sub3A = vector.broadcast %div3A_29 : vector<1x128xf32> to vector<10000x128xf32>
    %sub3A_30 = arith.subf %add3A_20, %sub3A : vector<10000x128xf32>
    %mul3A_31 = arith.mulf %sub3A_30, %sub3A_30 : vector<10000x128xf32>
    %reduce_sum3A_32 = arith.constant dense<0.000000e+00> : vector<128xf32>
    %reduce_sum3A_33 = vector.multi_reduction <add>, %mul3A_31, %reduce_sum3A_32 [0] : vector<10000x128xf32> to vector<128xf32>
    %broadcast_in_dim3A_34 = vector.shape_cast %reduce_sum3A_33 : vector<128xf32> to vector<1x128xf32>
    %div3A_35 = arith.constant 1.000000e+04 : f32
    %div3A_36 = vector.broadcast %div3A_35 : f32 to vector<1x128xf32>
    %div3A_37 = arith.divf %broadcast_in_dim3A_34, %div3A_36 : vector<1x128xf32>
    %add3A_38 = arith.constant 9.99999974E-6 : f32
    %add3A_39 = vector.broadcast %add3A_38 : f32 to vector<1x128xf32>
    %add3A_40 = arith.addf %div3A_37, %add3A_39 : vector<1x128xf32>
    %rsqrt3A = math.rsqrt %add3A_40 : vector<1x128xf32>
    %mul3A_41 = vector.broadcast %rsqrt3A : vector<1x128xf32> to vector<10000x128xf32>
    %mul3A_42 = arith.mulf %sub3A_30, %mul3A_41 : vector<10000x128xf32>
    %mul3A_43 = vector.broadcast %get3A_23 : vector<1x128xf32> to vector<10000x128xf32>
    %mul3A_44 = arith.mulf %mul3A_42, %mul3A_43 : vector<10000x128xf32>
    %add3A_45 = vector.broadcast %get3A_26 : vector<1x128xf32> to vector<10000x128xf32>
    %add3A_46 = arith.addf %mul3A_44, %add3A_45 : vector<10000x128xf32>
    %max3A = arith.constant 0.000000e+00 : f32
    %max3A_47 = vector.broadcast %max3A : f32 to vector<10000x128xf32>
    %max3A_48 = arith.maximumf %add3A_46, %max3A_47 : vector<10000x128xf32>
    %get3A_49 = arith.constant 0 : index
    %get3A_50 = arith.constant 0 : index
    %get3A_51 = vector.load %arg6[%get3A_49, %get3A_50] : memref<128x1xf32, #tpu.memory_space<vmem>>, vector<128x1xf32>
    %dot_general3A = arith.constant dense<0.000000e+00> : vector<10000x1xf32>
    %dot_general3A_52 = tpu.matmul %max3A_48, %get3A_51, %dot_general3A {dimension_numbers = #tpu.dot_dimension_numbers<[1], [0], [0], [1], [0, 0, 1, 1], [], []>, precision = #tpu.contract_precision<fp32>, transpose_lhs_hint = false} : vector<10000x128xf32>, vector<128x1xf32>, vector<10000x1xf32> -> vector<10000x1xf32>
    %get3A_53 = arith.constant 0 : index
    %get3A_54 = arith.constant 0 : index
    %get3A_55 = vector.load %arg7[%get3A_53, %get3A_54] : memref<1x1xf32, #tpu.memory_space<vmem>>, vector<1x1xf32>
    %add3A_56 = vector.broadcast %get3A_55 : vector<1x1xf32> to vector<10000x1xf32>
    %add3A_57 = arith.addf %dot_general3A_52, %add3A_56 : vector<10000x1xf32>
    %max3A_58 = arith.constant 0.000000e+00 : f32
    %max3A_59 = vector.broadcast %max3A_58 : f32 to vector<10000x1xf32>
    %max3A_60 = arith.maximumf %add3A_57, %max3A_59 : vector<10000x1xf32>
    %logistic3A = arith.negf %max3A_60 : vector<10000x1xf32>
    %logistic3A_61 = math.exp %logistic3A : vector<10000x1xf32>
    %logistic3A_62 = arith.constant 1.000000e+00 : f32
    %logistic3A_63 = vector.broadcast %logistic3A_62 : f32 to vector<10000x1xf32>
    %logistic3A_64 = arith.addf %logistic3A_63, %logistic3A_61 : vector<10000x1xf32>
    %logistic3A_65 = arith.divf %logistic3A_63, %logistic3A_64 : vector<10000x1xf32>
    %swap3A = arith.constant 0 : index
    %swap3A_66 = arith.constant 0 : index
    %swap3A_67 = vector.load %arg8[%swap3A, %swap3A_66] : memref<10000x1xf32, #tpu.memory_space<vmem>>, vector<10000x1xf32>
    tpu.vector_store %arg8[%swap3A, %swap3A_66], %logistic3A_65 {strides = array<i32>} : memref<10000x1xf32, #tpu.memory_space<vmem>>, vector<10000x1xf32>,
    return
  }
}

</mosaic_0001>

<sc_bundles>
// kernel: kernel.12.cloned.1.call-start
scs
__scs_entry_jumppad:
0x0: {  	(pc) =	sbr.rel $0x88, $3  }
0x1: {  	(tag) =	ssettag $0x0;
	lr =	simm.s32 $0x1  }
0x2: {  	[smem:$0x3F95] =	sst lr;
	_ =	strace $0xD0000000  }
0x3: {  	_ = 	snop  }
0x4: {  	_ = 	snop  }
0x5: {  	_ = 	snop  }
0x6: {  	_ = 	snop  }
0x7: {  	_ = 	snop  }
__scs_overlays_trampoline_lowered:
0x8: {  	[smem:$0x3FA4] =	sst s0  }
0x9: {  	[smem:$0x3FA5] =	sst s1  }
0xa: {  	[smem:$0x3FA6] =	sst s2  }
0xb: {  	[smem:$0x3FA7] =	sst s3  }
0xc: {  	[smem:$0x3FA8] =	sst s4  }
0xd: {  	[smem:$0x3FA9] =	sst s5  }
0xe: {  	[smem:$0x3FAA] =	sst s6  }
0xf: {  	[smem:$0x3FAB] =	sst s7  }
0x10: {  	[smem:$0x3FAC] =	sst s8  }
0x11: {  	[smem:$0x3FAD] =	sst s9;
	s0 =	simm.s32 @!p0 $0x0  }
0x12: {  	s1 =	sld [smem:$0x3F93];
	s0 =	simm.s32 @p0 $0x1  }
0x13: {  	[smem:$0x3FAE] =	sst s0;
	s0 =	simm.s32 @!p1 $0x0  }
0x14: {  	s2 =	sld [smem:$0x3F92];
	s0 =	simm.s32 @p1 $0x1  }
0x15: {  	[smem:$0x3FAF] =	sst s0;
	s0 =	simm.s32 @!p2 $0x0  }
0x16: {  	s3 =	sld [smem:$0x3FDB];
	s0 =	simm.s32 @p2 $0x1  }
0x17: {  	s4 =	simm.s32 $0x1BF5;
	[smem:$0x3FB1] =	sst s0  }
0x18: {  	s0 =	sld [smem:$0x3F94];
	_ =	swait.ge [sflag:s4], $0x0  }
0x19: {  	s7 =	sld [smem:$0x3F95]  }
0x1a: {  	s8 =	sadd.s32 $0xFFFFE003, lr  }
0x1b: {  	s9 =	sadd.s32 $0xFFFFFEF7, lr;
	s5 =	simm.s32 $0xFFFFFFFF;
	p2 =	slt.u32 s8, $0xFFFFF086  }
0x1c: {  	p1 =	slt.u32 s9, $0xF7A;
	s5 =	simm.s32 @!p2 $0x0  }
0x1d: {  	s5 =	simm.s32 @p1 $0x1;
	p0 =	seq.s32 s7, s2  }
0x1e: {  	s7 =	smul.u32 @!p0 $0xF7A, s2;
	p2 =	seq.s32 @!p0 s5, $0x0  }
0x1f: {  	s9 =	smul.u32 $0xF7A, s1;
	s8 =	simm.s32 @!p0 $0x1BF5;
	p2 =	por !p2, p0  }
0x20: {  	[sflag:s8] =	ssyncset.s32 @!p0 $0xFFFFF086;
	s6 =	sadd.s32 @!p0 s3, s7;
	s7 =	simm.s32 @!p0 $0x108  }
0x21: {  	s3 =	sadd.s32 s3, s9;
	s6 =	sadd.s32 @!p0 $0x88, s6;
	s7 =	simm.s32 @p2 $0x1082  }
0x22: {  	[simem:s7], [sflag:s8] =	dma.local @!p0 [hbm:s6], $0xF7A  }
0x23: {  	s9 =	sor.u32 $0xD0000000, s2;
	s6 =	simm.s32 $0x108;
	_ =	swait.ge @!p0 [sflag:s8], $0x0  }
0x24: {  	s3 =	sadd.s32 $0x88, s3;
	s6 =	simm.s32 @!p1 $0x1082;
	[sflag:s4] =	ssyncset.s32 $0xFFFFF086  }
0x25: {  	[simem:s6], [sflag:s4] =	dma.local [hbm:s3], $0xF7A  }
0x26: {  	[smem:$0x3F95] =	sst s1;
	(tag) =	ssettag s2;
	_ =	strace s9  }
0x27: {  	s1 =	sld [smem:$0x3FA5]  }
0x28: {  	s2 =	sld [smem:$0x3FA6]  }
0x29: {  	s4 =	sld [smem:$0x3FA8]  }
0x2a: {  	p0 =	seq.s32 s5, $0x0;
	s5 =	sld [smem:$0x3FA9]  }
0x2b: {  	s6 =	sld [smem:$0x3FAA]  }
0x2c: {  	s7 =	sld [smem:$0x3FAB]  }
0x2d: {  	s3 =	simm.s32 $0x108;
	s8 =	sld [smem:$0x3FAC]  }
0x2e: {  	s3 =	simm.s32 @!p0 $0x1082;
	s9 =	sld [smem:$0x3FAD]  }
0x2f: {  	lr =	sadd.s32 s0, s3;
	s0 =	sld [smem:$0x3FA4]  }
0x30: {  	s3 =	sld [smem:$0x3FA7]  }
0x31: {  	[smem:$0x3FB0] =	sst s10  }
0x32: {  	s10 =	sld [smem:$0x3FAE];
	_ =	sdelay $0x3  }
0x33: {  	p0 =	seq.s32 s10, $0x1;
	s10 =	sld [smem:$0x3FB0];
	_ =	sdelay $0x3  }
0x34: {  	[smem:$0x3FB0] =	sst s10  }
0x35: {  	s10 =	sld [smem:$0x3FAF];
	_ =	sdelay $0x3  }
0x36: {  	p1 =	seq.s32 s10, $0x1;
	s10 =	sld [smem:$0x3FB0];
	_ =	sdelay $0x3  }
0x37: {  	[smem:$0x3FB0] =	sst s10  }
0x38: {  	s10 =	sld [smem:$0x3FB1]  }
0x39: {  	_ = 	snop;
	(pc) =	sbr.ind lr, $3  }
0x3a: {  	_ = 	snop  }
0x3b: {  	_ = 	snop  }
0x3c: {  	p2 =	seq.s32 s10, $0x1;
	s10 =	sld [smem:$0x3FB0]  }
0x3d: {  	_ =	shalt  }
0x3e: {  	_ =	shalt  }
0x3f: {  	_ =	shalt  }
0x40: {  	_ =	shalt  }
0x41: {  	_ =	shalt  }
0x42: {  	_ =	shalt  }
0x43: {  	_ =	shalt  }
0x44: {  	_ =	shalt  }
0x45: {  	_ =	shalt  }
0x46: {  	_ =	shalt  }
0x47: {  	_ =	shalt  }
0x48: {  	_ =	shalt  }
0x49: {  	_ =	shalt  }
0x4a: {  	_ =	shalt  }
0x4b: {  	_ =	shalt  }
0x4c: {  	_ =	shalt  }
0x4d: {  	_ =	shalt  }
0x4e: {  	_ =	shalt  }
0x4f: {  	_ =	shalt  }
0x50: {  	_ =	shalt  }
0x51: {  	_ =	shalt  }
0x52: {  	_ =	shalt  }
0x53: {  	_ =	shalt  }
0x54: {  	_ =	shalt  }
0x55: {  	_ =	shalt  }
0x56: {  	_ =	shalt  }
0x57: {  	_ =	shalt  }
0x58: {  	_ =	shalt  }
0x59: {  	_ =	shalt  }
0x5a: {  	_ =	shalt  }
0x5b: {  	_ =	shalt  }
0x5c: {  	_ =	shalt  }
0x5d: {  	_ =	shalt  }
0x5e: {  	_ =	shalt  }
0x5f: {  	_ =	shalt  }
0x60: {  	_ =	shalt  }
0x61: {  	_ =	shalt  }
0x62: {  	_ =	shalt  }
0x63: {  	_ =	shalt  }
0x64: {  	_ =	shalt  }
0x65: {  	_ =	shalt  }
0x66: {  	_ =	shalt  }
0x67: {  	_ =	shalt  }
0x68: {  	_ =	shalt  }
0x69: {  	_ =	shalt  }
0x6a: {  	_ =	shalt  }
0x6b: {  	_ =	shalt  }
0x6c: {  	_ =	shalt  }
0x6d: {  	_ =	shalt  }
0x6e: {  	_ =	shalt  }
0x6f: {  	_ =	shalt  }
0x70: {  	_ =	shalt  }
0x71: {  	_ =	shalt  }
0x72: {  	_ =	shalt  }
0x73: {  	_ =	shalt  }
0x74: {  	_ =	shalt  }
0x75: {  	_ =	shalt  }
0x76: {  	_ =	shalt  }
0x77: {  	_ =	shalt  }
0x78: {  	_ =	shalt  }
0x79: {  	_ =	shalt  }
0x7a: {  	_ =	shalt  }
0x7b: {  	_ =	shalt  }
0x7c: {  	_ =	shalt  }
0x7d: {  	_ =	shalt  }
0x7e: {  	_ =	shalt  }
0x7f: {  	_ =	shalt  }
0x80: {  	_ =	shalt  }
0x81: {  	_ =	shalt  }
0x82: {  	_ =	shalt  }
0x83: {  	_ =	shalt  }
0x84: {  	_ =	shalt  }
0x85: {  	_ =	shalt  }
0x86: {  	_ =	shalt  }
0x87: {  	_ =	shalt  }
.Lfunc_end0:
.L_simem_size_0:
called_computation.1_lowered:
.L_overlay_start_0:
0x88: {  	s2 =	sld [smem:$0x3FD9]  }
0x89: {  	s3 =	sld [smem:$0x3FFE];
	_ =	sdelay $0x1  }
0x8a: {  	s1 =	srdreg.scid  }
0x8b: {  	s0 =	sand.u32 $0x1, s1  }
0x8c: {  	s16 =	sshll.u32 s0, $0xA;
	s2 =	sadd.s32 s3, s2  }
0x8d: {  	s2 =	sadd.s32 s2, s16  }
0x8e: {  	[smem:$0x3FBC] =	sst s2  }
0x8f: {  	_ = 	snop  }
0x90: {  	(tm) =	ssettm $0x1  }
0x91: {  	s17 =	sld [smem:$0x3FFB];
	_ =	sdelay $0x3  }
0x92: {  	_ =	strace s17  }
0x93: {  	s2 =	sld [smem:$0x3FFC];
	_ =	sdelay $0x3  }
0x94: {  	_ =	strace s2  }
0x95: {  	s2 =	sld [smem:$0x3FFD];
	_ =	sdelay $0x3  }
0x96: {  	_ =	strace s2  }
0x97: {  	_ =	strace $0x8FFFFFFF  }
0x98: {  	s18 =	sld [smem:$0x3FDB];
	_ =	sdelay $0x1  }
0x99: {  	s19 =	simm.s32 $_scs_section_size  }
0x9a: {  	s4 =	simm.s32 $_size__tile_overlayer_lowered;
	s5 =	simm.s32 $_tile_overlayer_lowered  }
0x9b: {  	s22 =	simm.s32 $0x1BFF;
	s21 =	sshll.u32 s5, $0x1;
	s2 =	sadd.s32 s19, s18  }
0x9c: {  	s6 =	simm.s32 $0x0;
	s20 =	sshll.u32 s4, $0x1;
	s4 =	sadd.s32 s21, s2  }
0x9d: {  	[timem:s6], [sflag:s22] =	dma.local [hbm:s4], s20  }
0x9e: {  	_ =	swait.ge [sflag:s22], s20  }
0x9f: {  	s3 =	ssub.s32 $0x0, s20;
	[sflag:s22] =	ssyncset.done $0x0  }
0xa0: {  	[sflag:s22] =	ssyncadd.s32 s3;
	_ =	sdelay $0x1  }
0xa1: {  	s23 =	simm.s32 $0x1B8B  }
0xa2: {  	_ =	swait.ge [sflag:s23], $0x1  }
0xa3: {  	[sflag:s23] =	ssyncset.done $0x0  }
0xa4: {  	s25 =	simm.s32 $0x1B8E;
	s24 =	sld [smem:$0x3FFE];
	[sflag:s23] =	ssyncadd.s32 $0xFFFFFFFF  }
0xa5: {  	s26 =	simm.s32 $execute0_lowered;
	[smem:$0x3FD2] =	sst s25  }
0xa6: {  	s4 =	sshll.u32 s26, $0x1;
	_ =	strace $0x80000049;
	[dreg:$0x1] =	wrdreg $0xFFFFFFFF  }
0xa7: {  	s28 =	simm.s32 $_size_execute0_lowered;
	s2 =	sadd.s32 s2, s4;
	[dreg:$0x0] =	wrdreg $0x0  }
0xa8: {  	s4 =	sshll.u32 s28, $0x1;
	[dreg:$0x2] =	wrdreg s2  }
0xa9: {  	[dreg:$0x3] =	wrdreg s4  }
0xaa: {  	[dreg:$0x4] =	wrdreg $0xC0  }
0xab: {  	_ =	task [dreg:s6], $0x5FFFF  }
0xac: {  	[dreg:$0x1] =	wrdreg $0xFFFFFFFF  }
0xad: {  	[dreg:$0x0] =	wrdreg $0x60  }
0xae: {  	[dreg:$0x2] =	wrdreg s24  }
0xaf: {  	[dreg:$0x3] =	wrdreg $0x90000  }
0xb0: {  	[dreg:$0x4] =	wrdreg $0x9  }
0xb1: {  	_ =	task.clear_ibuf [dreg:s6], $0x5FFFF;
	_ =	strace $0x90000049  }
0xb2: {  	s29 =	simm.s32 $0x9;
	_ =	strace $0x8000004B  }
0xb3: {  	_ =	swait.ge [sflag:s29], $0x1  }
0xb4: {  	[sflag:s29] =	ssyncadd.s32 $0xFFFFFFFF  }
0xb5: {  	_ =	strace $0x9000004B  }
0xb6: {  	_ =	sfence  }
0xb7: {  	s30 =	sld [smem:$0x0];
	_ =	sdelay $0x2  }
0xb8: {  	s31 =	sshll.u32 s1, $0xD;
	s1 =	sshrl.u32 s1, $0x2  }
0xb9: {  	s3 =	sand.u32 $0x4000, s31;
	s1 =	sadd.s32 s1, s30  }
0xba: {  	s0 =	sor.u32 s3, s0;
	s1 =	sshll.u32 s1, $0x11  }
0xbb: {  	s0 =	sor.u32 s1, s0  }
0xbc: {  	s0 =	sadd.s32 $0x8F2B, s0  }
0xbd: {  	[sflag:s0] =	ssyncadd.remote.s32 $0x1  }
0xbe: {  	_ =	sfence.sel $0xFFFF  }
0xbf: {  	[dreg:$0x0] =	wrdreg $0xFFFFFFFF;
	(pc) =	sbr.abs _section_cstart, $3  }
0xc0: {  	[dreg:$0x1] =	wrdreg $0xFFFFFFFF  }
0xc1: {  	_ =	task.clear_ibuf [dreg:s6], $0x2FFFF;
	_ =	strace $0x9FFFFFFF  }
0xc2: {  	(tm) =	ssettm $0x7FFFFFFF  }
0xc3: {  	_ =	shalt  }
tec
execute0_lowered:
.L_overlay_start_1:
0x0: {  	(tag) =	ssettag $0x1  }
0x1: {  	s0 =	rddreg [dreg:$0x0]  }
0x2: {  	s1 =	rddreg [dreg:$0x1];
	s3 =	simm.s32 $0x0;
	s2 =	srdreg.scid  }
0x3: {  	s9 =	stileid.u32;
	s12 =	simm.s32 $0x3;
	s13 =	simm.s32 $0x800  }
0x4: {  	s14 =	simm.s32 $0x80;
	s15 =	simm.s32 $0x1000;
	s16 =	simm.s32 $0x1  }
0x5: {  	s17 =	simm.s32 $0x5000;
	s19 =	simm.s32 $0x2;
	s31 =	simm.s32 $0xD00  }
0x6: {  	s11 =	simm.s32 $0x780;
	s18 =	simm.s32 $0xF80;
	s4 =	smul.u32 $0x90, s9  }
0x7: {  	[smem:$0x7FF] =	sst s3;
	s2 =	sand.u32 $0x1, s2;
	s7 =	smul.u32 $0x14000, s9  }
0x8: {  	s5 =	sshll.u32 s9, $0x4;
	s8 =	smul.u32 $0x50000, s9;
	s10 =	sadd.s32 $0x3E400, s0  }
0x9: {  	s24 =	sshll.u32 s9, $0x6;
	s9 =	simm.s32 $0xE80;
	p0 =	seq.s32 s2, $0x0  }
0xa: {  	s5 =	sor.u32 $0x900, s5;
	s6 =	smul.u32 $0x140000, s2;
	_ =	strace $0x8000004A  }
0xb: {  	s21 =	ssub.s32 $0x2, s2;
	[dreg:$0x3] =	wrdreg s10;
	s29 =	sor.u32 $0x1C03, s24  }
0xc: {  	s24 =	simm.s32 $0x480;
	s10 =	simm.s32 $0x700;
	s5 =	smov.u32 @p0 s4  }
0xd: {  	s4 =	sadd.s32 $0x17200, s0;
	s22 =	sshrl.u32 s21, $0x1;
	s23 =	sshrl.u32 s8, $0x2  }
0xe: {  	p0 =	sne.s32 s2, $0x0;
	[dreg:$0x4] =	wrdreg s29;
	s2 =	simm.s32 $0xD80  }
0xf: {  	s8 =	simm.s32 $0x680;
	s5 =	sshll.u32 s5, $0x4;
	s6 =	sadd.s32 s7, s6  }
0x10: {  	s7 =	sadd.s32 s23, s1;
	s23 =	simm.s32 $0xC00;
	s5 =	sadd.s32 s5, s0  }
0x11: {  	s6 =	sshrl.u32 s6, $0x3;
	s30 =	sshrl.u32 s7, $0x3;
	s7 =	simm.s32 $0xE00  }
0x12: {  	s0 =	sadd.s32 s6, s0;
	s6 =	ssub.s32 s21, s22;
	s26 =	sadd.s32 $0xD200, s5  }
0x13: {  	s28 =	sadd.s32 $0x3200, s5;
	[dreg:$0x9] =	wrdreg s30;
	s21 =	simm.s32 $0xB80  }
0x14: {  	s22 =	simm.s32 $0x400;
	s5 =	simm.s32 $0x600;
	[dreg:$0x7] =	wrdreg s26  }
0x15: {  	s0 =	sadd.s32 $0x40C00, s0;
	s25 =	smax.u32 s6, $0x1;
	[dreg:$0x8] =	wrdreg s28  }
0x16: {  	s26 =	simm.s32 $0x500;
	s6 =	simm.s32 $0xF00;
	[dreg:$0x5] =	wrdreg s0  }
0x17: {  	[dreg:$0x6] =	wrdreg s25;
	s0 =	simm.s32 $0x0;
	s25 =	simm.s32 $0xC80  }
.LBB2_1:
0x18: {  	[dreg:$0xa] =	wrdreg s0  }
0x19: {  	s28 =	rddreg [dreg:$0x3]  }
0x1a: {  	[spmem:s30], [sflag:s29] =	dma.local [hbm:s28], $0x2800  }
0x1b: {  	_ =	swait.ge [sflag:s12], $0x2800  }
0x1c: {  	[sflag:s12] =	ssyncset.done $0x0  }
0x1d: {  	[sflag:s12] =	ssyncadd.s32 $0xFFFFD800  }
0x1e: {  	[bflag:$0x0] =	sbarrier.arrive $0xFFFF  }
0x1f: {  	s28 =	rddreg [dreg:$0x8]  }
0x20: {  	s0 =	simm.s32 $0x580;
	s30 =	simm.s32 $0x0;
	s29 =	rddreg [dreg:$0x7]  }
.LBB2_2:
0x21: {  	[tilespmem:s3], [sflag:$0x3] =	stream.linear.gather [hbm4b:s28+s3], $0x800, $0x38;
	[tilespmem:$0x1D000] =	vst v63  }
0x22: {  	_ =	swait.ge [sflag:s12], $0x800  }
0x23: {  	[sflag:s12] =	ssyncset.done $0x0  }
0x24: {  	[sflag:s12] =	ssyncadd.s32 $0xFFFFF800  }
0x25: {  	[tilespmem:s13], [sflag:$0x3] =	stream.linear.gather [hbm4b:s29+s3], $0x800, $0x38;
	[tilespmem:$0x1D000] =	vst v63  }
0x26: {  	_ =	swait.ge [sflag:s12], $0x800  }
0x27: {  	[sflag:s12] =	ssyncset.done $0x0  }
0x28: {  	[sflag:s12] =	ssyncadd.s32 $0xFFFFF800  }
0x29: {  	[tilespmem:s15], [sflag:$0x1] =	stream.indirect.gather [hbm4b:s4+s14], $0x80, s3, s14, $0xb8;
	[tilespmem:$0x1D000] =	vst v63  }
0x2a: {  	_ =	swait.ge [sflag:s16], $0x4000  }
0x2b: {  	[sflag:s16] =	ssyncset.done $0x0  }
0x2c: {  	[sflag:s16] =	ssyncadd.s32 $0xFFFFC000  }
0x2d: {  	[spmem:s1] =	stream.indirect.scatter.add.f32 [tilespmem:s15], [sflag:$0x2], $0x80, s13, s14, $0xb8;
	[tilespmem:$0x1D000] =	vst v63  }
0x2e: {  	_ = 	snop  }
0x2f: {  	[tilespmem:s17], [sflag:$0x1] =	stream.indirect.gather [hbm4b:s4+s14], $0x80, s14, s14, $0xb8;
	[tilespmem:$0x1D000] =	vst v63  }
0x30: {  	_ =	swait.ge [sflag:s16], $0x4000  }
0x31: {  	[sflag:s16] =	ssyncset.done $0x0  }
0x32: {  	s20 =	simm.s32 $0x880;
	[sflag:s16] =	ssyncadd.s32 $0xFFFFC000  }
0x33: {  	[spmem:s1] =	stream.indirect.scatter.add.f32 [tilespmem:s17], [sflag:$0x2], $0x80, s20, s14, $0xb8;
	[tilespmem:$0x1D000] =	vst v63  }
0x34: {  	_ =	swait.ge [sflag:s19], $0x4000  }
0x35: {  	[sflag:s19] =	ssyncset.done $0x0  }
0x36: {  	s20 =	simm.s32 $0x100;
	[sflag:s19] =	ssyncadd.s32 $0xFFFFC000  }
0x37: {  	[tilespmem:s15], [sflag:$0x1] =	stream.indirect.gather [hbm4b:s4+s14], $0x80, s20, s14, $0xb8;
	[tilespmem:$0x1D000] =	vst v63  }
0x38: {  	_ =	swait.ge [sflag:s16], $0x4000  }
0x39: {  	[sflag:s16] =	ssyncset.done $0x0  }
0x3a: {  	s20 =	simm.s32 $0x900;
	[sflag:s16] =	ssyncadd.s32 $0xFFFFC000  }
0x3b: {  	[spmem:s1] =	stream.indirect.scatter.add.f32 [tilespmem:s15], [sflag:$0x2], $0x80, s20, s14, $0xb8;
	[tilespmem:$0x1D000] =	vst v63  }
0x3c: {  	_ =	swait.ge [sflag:s19], $0x4000  }
0x3d: {  	[sflag:s19] =	ssyncset.done $0x0  }
0x3e: {  	s20 =	simm.s32 $0x180;
	[sflag:s19] =	ssyncadd.s32 $0xFFFFC000  }
0x3f: {  	[tilespmem:s17], [sflag:$0x1] =	stream.indirect.gather [hbm4b:s4+s14], $0x80, s20, s14, $0xb8;
	[tilespmem:$0x1D000] =	vst v63  }
0x40: {  	_ =	swait.ge [sflag:s16], $0x4000  }
0x41: {  	[sflag:s16] =	ssyncset.done $0x0  }
0x42: {  	s20 =	simm.s32 $0x980;
	[sflag:s16] =	ssyncadd.s32 $0xFFFFC000  }
0x43: {  	[spmem:s1] =	stream.indirect.scatter.add.f32 [tilespmem:s17], [sflag:$0x2], $0x80, s20, s14, $0xb8;
	[tilespmem:$0x1D000] =	vst v63  }
0x44: {  	_ =	swait.ge [sflag:s19], $0x4000  }
0x45: {  	[sflag:s19] =	ssyncset.done $0x0  }
0x46: {  	s20 =	simm.s32 $0x200;
	[sflag:s19] =	ssyncadd.s32 $0xFFFFC000  }
0x47: {  	[tilespmem:s15], [sflag:$0x1] =	stream.indirect.gather [hbm4b:s4+s14], $0x80, s20, s14, $0xb8;
	[tilespmem:$0x1D000] =	vst v63  }
0x48: {  	_ =	swait.ge [sflag:s16], $0x4000  }
0x49: {  	[sflag:s16] =	ssyncset.done $0x0  }
0x4a: {  	s20 =	simm.s32 $0xA00;
	[sflag:s16] =	ssyncadd.s32 $0xFFFFC000  }
0x4b: {  	[spmem:s1] =	stream.indirect.scatter.add.f32 [tilespmem:s15], [sflag:$0x2], $0x80, s20, s14, $0xb8;
	[tilespmem:$0x1D000] =	vst v63  }
0x4c: {  	_ =	swait.ge [sflag:s19], $0x4000  }
0x4d: {  	[sflag:s19] =	ssyncset.done $0x0  }
0x4e: {  	s20 =	simm.s32 $0x280;
	[sflag:s19] =	ssyncadd.s32 $0xFFFFC000  }
0x4f: {  	[tilespmem:s17], [sflag:$0x1] =	stream.indirect.gather [hbm4b:s4+s14], $0x80, s20, s14, $0xb8;
	[tilespmem:$0x1D000] =	vst v63  }
0x50: {  	_ =	swait.ge [sflag:s16], $0x4000  }
0x51: {  	[sflag:s16] =	ssyncset.done $0x0  }
0x52: {  	s20 =	simm.s32 $0xA80;
	[sflag:s16] =	ssyncadd.s32 $0xFFFFC000  }
0x53: {  	[spmem:s1] =	stream.indirect.scatter.add.f32 [tilespmem:s17], [sflag:$0x2], $0x80, s20, s14, $0xb8;
	[tilespmem:$0x1D000] =	vst v63  }
0x54: {  	_ =	swait.ge [sflag:s19], $0x4000  }
0x55: {  	[sflag:s19] =	ssyncset.done $0x0  }
0x56: {  	s20 =	simm.s32 $0x300;
	[sflag:s19] =	ssyncadd.s32 $0xFFFFC000  }
0x57: {  	[tilespmem:s15], [sflag:$0x1] =	stream.indirect.gather [hbm4b:s4+s14], $0x80, s20, s14, $0xb8;
	[tilespmem:$0x1D000] =	vst v63  }
0x58: {  	_ =	swait.ge [sflag:s16], $0x4000  }
0x59: {  	[sflag:s16] =	ssyncset.done $0x0  }
0x5a: {  	s20 =	simm.s32 $0xB00;
	[sflag:s16] =	ssyncadd.s32 $0xFFFFC000  }
0x5b: {  	[spmem:s1] =	stream.indirect.scatter.add.f32 [tilespmem:s15], [sflag:$0x2], $0x80, s20, s14, $0xb8;
	[tilespmem:$0x1D000] =	vst v63  }
0x5c: {  	_ =	swait.ge [sflag:s19], $0x4000  }
0x5d: {  	[sflag:s19] =	ssyncset.done $0x0  }
0x5e: {  	s20 =	simm.s32 $0x380;
	[sflag:s19] =	ssyncadd.s32 $0xFFFFC000  }
0x5f: {  	[tilespmem:s17], [sflag:$0x1] =	stream.indirect.gather [hbm4b:s4+s14], $0x80, s20, s14, $0xb8;
	[tilespmem:$0x1D000] =	vst v63  }
0x60: {  	_ =	swait.ge [sflag:s16], $0x4000  }
0x61: {  	[sflag:s16] =	ssyncset.done $0x0  }
0x62: {  	[sflag:s16] =	ssyncadd.s32 $0xFFFFC000  }
0x63: {  	[spmem:s1] =	stream.indirect.scatter.add.f32 [tilespmem:s17], [sflag:$0x2], $0x80, s21, s14, $0xb8;
	[tilespmem:$0x1D000] =	vst v63  }
0x64: {  	_ =	swait.ge [sflag:s19], $0x4000  }
0x65: {  	[sflag:s19] =	ssyncset.done $0x0  }
0x66: {  	[sflag:s19] =	ssyncadd.s32 $0xFFFFC000  }
0x67: {  	[tilespmem:s15], [sflag:$0x1] =	stream.indirect.gather [hbm4b:s4+s14], $0x80, s22, s14, $0xb8;
	[tilespmem:$0x1D000] =	vst v63  }
0x68: {  	_ =	swait.ge [sflag:s16], $0x4000  }
0x69: {  	[sflag:s16] =	ssyncset.done $0x0  }
0x6a: {  	[sflag:s16] =	ssyncadd.s32 $0xFFFFC000  }
0x6b: {  	[spmem:s1] =	stream.indirect.scatter.add.f32 [tilespmem:s15], [sflag:$0x2], $0x80, s23, s14, $0xb8;
	[tilespmem:$0x1D000] =	vst v63  }
0x6c: {  	_ =	swait.ge [sflag:s19], $0x4000  }
0x6d: {  	[sflag:s19] =	ssyncset.done $0x0  }
0x6e: {  	[sflag:s19] =	ssyncadd.s32 $0xFFFFC000  }
0x6f: {  	[tilespmem:s17], [sflag:$0x1] =	stream.indirect.gather [hbm4b:s4+s14], $0x80, s24, s14, $0xb8;
	[tilespmem:$0x1D000] =	vst v63  }
0x70: {  	_ =	swait.ge [sflag:s16], $0x4000  }
0x71: {  	[sflag:s16] =	ssyncset.done $0x0  }
0x72: {  	[sflag:s16] =	ssyncadd.s32 $0xFFFFC000  }
0x73: {  	[spmem:s1] =	stream.indirect.scatter.add.f32 [tilespmem:s17], [sflag:$0x2], $0x80, s25, s14, $0xb8;
	[tilespmem:$0x1D000] =	vst v63  }
0x74: {  	_ =	swait.ge [sflag:s19], $0x4000  }
0x75: {  	[sflag:s19] =	ssyncset.done $0x0  }
0x76: {  	[sflag:s19] =	ssyncadd.s32 $0xFFFFC000  }
0x77: {  	[tilespmem:s15], [sflag:$0x1] =	stream.indirect.gather [hbm4b:s4+s14], $0x80, s26, s14, $0xb8;
	[tilespmem:$0x1D000] =	vst v63  }
0x78: {  	_ =	swait.ge [sflag:s16], $0x4000  }
0x79: {  	[sflag:s16] =	ssyncset.done $0x0  }
0x7a: {  	[sflag:s16] =	ssyncadd.s32 $0xFFFFC000  }
0x7b: {  	[spmem:s1] =	stream.indirect.scatter.add.f32 [tilespmem:s15], [sflag:$0x2], $0x80, s31, s14, $0xb8;
	[tilespmem:$0x1D000] =	vst v63  }
0x7c: {  	_ =	swait.ge [sflag:s19], $0x4000  }
0x7d: {  	[sflag:s19] =	ssyncset.done $0x0  }
0x7e: {  	[sflag:s19] =	ssyncadd.s32 $0xFFFFC000  }
0x7f: {  	[tilespmem:s17], [sflag:$0x1] =	stream.indirect.gather [hbm4b:s4+s14], $0x80, s0, s14, $0xb8;
	[tilespmem:$0x1D000] =	vst v63  }
0x80: {  	_ =	swait.ge [sflag:s16], $0x4000  }
0x81: {  	[sflag:s16] =	ssyncset.done $0x0  }
0x82: {  	[sflag:s16] =	ssyncadd.s32 $0xFFFFC000  }
0x83: {  	[spmem:s1] =	stream.indirect.scatter.add.f32 [tilespmem:s17], [sflag:$0x2], $0x80, s2, s14, $0xb8;
	[tilespmem:$0x1D000] =	vst v63  }
0x84: {  	_ =	swait.ge [sflag:s19], $0x4000  }
0x85: {  	[sflag:s19] =	ssyncset.done $0x0  }
0x86: {  	[sflag:s19] =	ssyncadd.s32 $0xFFFFC000  }
0x87: {  	[tilespmem:s15], [sflag:$0x1] =	stream.indirect.gather [hbm4b:s4+s14], $0x80, s5, s14, $0xb8;
	[tilespmem:$0x1D000] =	vst v63  }
0x88: {  	_ =	swait.ge [sflag:s16], $0x4000  }
0x89: {  	[sflag:s16] =	ssyncset.done $0x0  }
0x8a: {  	[sflag:s16] =	ssyncadd.s32 $0xFFFFC000  }
0x8b: {  	[spmem:s1] =	stream.indirect.scatter.add.f32 [tilespmem:s15], [sflag:$0x2], $0x80, s7, s14, $0xb8;
	[tilespmem:$0x1D000] =	vst v63  }
0x8c: {  	_ =	swait.ge [sflag:s19], $0x4000  }
0x8d: {  	[sflag:s19] =	ssyncset.done $0x0  }
0x8e: {  	[sflag:s19] =	ssyncadd.s32 $0xFFFFC000  }
0x8f: {  	[tilespmem:s17], [sflag:$0x1] =	stream.indirect.gather [hbm4b:s4+s14], $0x80, s8, s14, $0xb8;
	[tilespmem:$0x1D000] =	vst v63  }
0x90: {  	_ =	swait.ge [sflag:s16], $0x4000  }
0x91: {  	[sflag:s16] =	ssyncset.done $0x0  }
0x92: {  	[sflag:s16] =	ssyncadd.s32 $0xFFFFC000  }
0x93: {  	[spmem:s1] =	stream.indirect.scatter.add.f32 [tilespmem:s17], [sflag:$0x2], $0x80, s9, s14, $0xb8;
	[tilespmem:$0x1D000] =	vst v63  }
0x94: {  	_ =	swait.ge [sflag:s19], $0x4000  }
0x95: {  	[sflag:s19] =	ssyncset.done $0x0  }
0x96: {  	[sflag:s19] =	ssyncadd.s32 $0xFFFFC000  }
0x97: {  	[tilespmem:s15], [sflag:$0x1] =	stream.indirect.gather [hbm4b:s4+s14], $0x80, s10, s14, $0xb8;
	[tilespmem:$0x1D000] =	vst v63  }
0x98: {  	_ =	swait.ge [sflag:s16], $0x4000  }
0x99: {  	[sflag:s16] =	ssyncset.done $0x0  }
0x9a: {  	[sflag:s16] =	ssyncadd.s32 $0xFFFFC000  }
0x9b: {  	[spmem:s1] =	stream.indirect.scatter.add.f32 [tilespmem:s15], [sflag:$0x2], $0x80, s6, s14, $0xb8;
	[tilespmem:$0x1D000] =	vst v63  }
0x9c: {  	_ =	swait.ge [sflag:s19], $0x4000  }
0x9d: {  	[sflag:s19] =	ssyncset.done $0x0  }
0x9e: {  	[sflag:s19] =	ssyncadd.s32 $0xFFFFC000  }
0x9f: {  	[tilespmem:s17], [sflag:$0x1] =	stream.indirect.gather [hbm4b:s4+s14], $0x80, s11, s14, $0xb8;
	[tilespmem:$0x1D000] =	vst v63  }
0xa0: {  	_ =	swait.ge [sflag:s16], $0x4000  }
0xa1: {  	[sflag:s16] =	ssyncset.done $0x0  }
0xa2: {  	p1 =	slt.u32 @!p0 s30, $0x8;
	[sflag:s16] =	ssyncadd.s32 $0xFFFFC000  }
0xa3: {  	[spmem:s1] =	stream.indirect.scatter.add.f32 [tilespmem:s17], [sflag:$0x2], $0x80, s18, s14, $0xb8;
	[tilespmem:$0x1D000] =	vst v63  }
0xa4: {  	p1 =	por p0, !p1;
	_ =	swait.ge [sflag:s19], $0x4000  }
.Ltmp0:
0xa5: {  	[sflag:s19] =	ssyncset.done $0x0;
	(pc) =	sbr.rel @!p1 .LBB2_2-.Ltmp0, $4  }
0xa6: {  	[sflag:s19] =	ssyncadd.s32 $0xFFFFC000  }
0xa7: {  	_ =	swait.ge [sflag:s19], $0x4000  }
0xa8: {  	s30 =	sadd.s32 $0x1, s30;
	[sflag:s19] =	ssyncset.done $0x0  }
0xa9: {  	s28 =	sadd.s32 $0x100, s28;
	s29 =	sadd.s32 $0x100, s29;
	[sflag:s19] =	ssyncadd.s32 $0xFFFFC000  }
0xaa: {  	[bflag:$0x0] =	sbarrier.arrive $0xFFFF  }
0xab: {  	s29 =	rddreg [dreg:$0x4]  }
0xac: {  	s28 =	rddreg [dreg:$0x5]  }
0xad: {  	s30 =	rddreg [dreg:$0x9]  }
0xae: {  	[hbm:s28], [sflag:s29] =	dma.local [spmem:s30], $0x2800  }
0xaf: {  	_ =	swait.ge [sflag:s12], $0x2800  }
0xb0: {  	s0 =	rddreg [dreg:$0xa]  }
0xb1: {  	s20 =	rddreg [dreg:$0x6];
	s0 =	sadd.s32 $0x1, s0  }
0xb2: {  	p1 =	sne.s32 s0, s20  }
.Ltmp1:
0xb3: {  	_ = 	snop;
	(pc) =	sbr.rel @p1 .LBB2_1-.Ltmp1, $3  }
0xb4: {  	_ =	sdelay $0x1  }
0xb5: {  	[sflag:s12] =	ssyncset.done $0x0  }
0xb6: {  	[sflag:s12] =	ssyncadd.s32 $0xFFFFD800  }
0xb7: {  	_ =	sfence.sel $0x180000  }
0xb8: {  	[bflag:$0x0] =	sbarrier.arrive $0xFFFF  }
0xb9: {  	_ =	strace $0x9000004A  }
0xba: {  	s0 =	stileid.u32;
	[bflag:$0x2] =	sbarrier.arrive $0xFFFF  }
0xbb: {  	p0 =	sne.s32 s0, $0x0;
	s0 =	rddreg [dreg:$0x2]  }
0xbc: {  	s0 =	sadd.s32 @!p0 $0x100000, s0  }
0xbd: {  	[sflag:s0] =	ssyncadd.tile.s32 @!p0 $0x1;
	_ =	shalt  }
.Lfunc_end2:
_tile_overlayer_lowered:
.L_overlay_start_2:
0xbe: {  	(tag) =	ssettag $0x2  }
0xbf: {  	s0 =	rddreg [dreg:$0x0];
	s2 =	stileid.u32  }
0xc0: {  	s1 =	rddreg [dreg:$0x1];
	p0 =	sne.s32 s2, $0x0  }
0xc1: {  	s3 =	rddreg [dreg:$0x2];
	[bflag:$0x3] =	sbarrier.arrive $0xFFFF;
	s2 =	simm.s32 @!p0 $0x1C03  }
0xc2: {  	[timem:s3], [sflag:s2] =	dma.local @!p0 [hbm:s0], s1  }
0xc3: {  	s0 =	simm.s32 @!p0 $0x3  }
0xc4: {  	_ =	swait.ge @!p0 [sflag:s0], s1  }
0xc5: {  	s1 =	ssub.s32 @!p0 $0x0, s1;
	[sflag:s0] =	ssyncset.done @!p0 $0x0  }
0xc6: {  	[sflag:s0] =	ssyncadd.s32 @!p0 s1  }
0xc7: {  	[bflag:$0x3] =	sbarrier.arrive $0xFFFF  }
0xc8: {  	_ =	shalt  }

// kernel: kernel.15.cloned.1.call-start
scs
__scs_entry_jumppad:
0x0: {  	(pc) =	sbr.rel $0x88, $3  }
0x1: {  	(tag) =	ssettag $0x0;
	lr =	simm.s32 $0x1  }
0x2: {  	[smem:$0x3F95] =	sst lr;
	_ =	strace $0xD0000000  }
0x3: {  	_ = 	snop  }
0x4: {  	_ = 	snop  }
0x5: {  	_ = 	snop  }
0x6: {  	_ = 	snop  }
0x7: {  	_ = 	snop  }
__scs_overlays_trampoline_lowered:
0x8: {  	[smem:$0x3FA4] =	sst s0  }
0x9: {  	[smem:$0x3FA5] =	sst s1  }
0xa: {  	[smem:$0x3FA6] =	sst s2  }
0xb: {  	[smem:$0x3FA7] =	sst s3  }
0xc: {  	[smem:$0x3FA8] =	sst s4  }
0xd: {  	[smem:$0x3FA9] =	sst s5  }
0xe: {  	[smem:$0x3FAA] =	sst s6  }
0xf: {  	[smem:$0x3FAB] =	sst s7  }
0x10: {  	[smem:$0x3FAC] =	sst s8  }
0x11: {  	[smem:$0x3FAD] =	sst s9;
	s0 =	simm.s32 @!p0 $0x0  }
0x12: {  	s1 =	sld [smem:$0x3F93];
	s0 =	simm.s32 @p0 $0x1  }
0x13: {  	[smem:$0x3FAE] =	sst s0;
	s0 =	simm.s32 @!p1 $0x0  }
0x14: {  	s2 =	sld [smem:$0x3F92];
	s0 =	simm.s32 @p1 $0x1  }
0x15: {  	[smem:$0x3FAF] =	sst s0;
	s0 =	simm.s32 @!p2 $0x0  }
0x16: {  	s3 =	sld [smem:$0x3FDB];
	s0 =	simm.s32 @p2 $0x1  }
0x17: {  	s4 =	simm.s32 $0x1BF5;
	[smem:$0x3FB1] =	sst s0  }
0x18: {  	s0 =	sld [smem:$0x3F94];
	_ =	swait.ge [sflag:s4], $0x0  }
0x19: {  	s7 =	sld [smem:$0x3F95]  }
0x1a: {  	s8 =	sadd.s32 $0xFFFFE003, lr  }
0x1b: {  	s9 =	sadd.s32 $0xFFFFFEF7, lr;
	s5 =	simm.s32 $0xFFFFFFFF;
	p2 =	slt.u32 s8, $0xFFFFF086  }
0x1c: {  	p1 =	slt.u32 s9, $0xF7A;
	s5 =	simm.s32 @!p2 $0x0  }
0x1d: {  	s5 =	simm.s32 @p1 $0x1;
	p0 =	seq.s32 s7, s2  }
0x1e: {  	s7 =	smul.u32 @!p0 $0xF7A, s2;
	p2 =	seq.s32 @!p0 s5, $0x0  }
0x1f: {  	s9 =	smul.u32 $0xF7A, s1;
	s8 =	simm.s32 @!p0 $0x1BF5;
	p2 =	por !p2, p0  }
0x20: {  	[sflag:s8] =	ssyncset.s32 @!p0 $0xFFFFF086;
	s6 =	sadd.s32 @!p0 s3, s7;
	s7 =	simm.s32 @!p0 $0x108  }
0x21: {  	s3 =	sadd.s32 s3, s9;
	s6 =	sadd.s32 @!p0 $0x88, s6;
	s7 =	simm.s32 @p2 $0x1082  }
0x22: {  	[simem:s7], [sflag:s8] =	dma.local @!p0 [hbm:s6], $0xF7A  }
0x23: {  	s9 =	sor.u32 $0xD0000000, s2;
	s6 =	simm.s32 $0x108;
	_ =	swait.ge @!p0 [sflag:s8], $0x0  }
0x24: {  	s3 =	sadd.s32 $0x88, s3;
	s6 =	simm.s32 @!p1 $0x1082;
	[sflag:s4] =	ssyncset.s32 $0xFFFFF086  }
0x25: {  	[simem:s6], [sflag:s4] =	dma.local [hbm:s3], $0xF7A  }
0x26: {  	[smem:$0x3F95] =	sst s1;
	(tag) =	ssettag s2;
	_ =	strace s9  }
0x27: {  	s1 =	sld [smem:$0x3FA5]  }
0x28: {  	s2 =	sld [smem:$0x3FA6]  }
0x29: {  	s4 =	sld [smem:$0x3FA8]  }
0x2a: {  	p0 =	seq.s32 s5, $0x0;
	s5 =	sld [smem:$0x3FA9]  }
0x2b: {  	s6 =	sld [smem:$0x3FAA]  }
0x2c: {  	s7 =	sld [smem:$0x3FAB]  }
0x2d: {  	s3 =	simm.s32 $0x108;
	s8 =	sld [smem:$0x3FAC]  }
0x2e: {  	s3 =	simm.s32 @!p0 $0x1082;
	s9 =	sld [smem:$0x3FAD]  }
0x2f: {  	lr =	sadd.s32 s0, s3;
	s0 =	sld [smem:$0x3FA4]  }
0x30: {  	s3 =	sld [smem:$0x3FA7]  }
0x31: {  	[smem:$0x3FB0] =	sst s10  }
0x32: {  	s10 =	sld [smem:$0x3FAE];
	_ =	sdelay $0x3  }
0x33: {  	p0 =	seq.s32 s10, $0x1;
	s10 =	sld [smem:$0x3FB0];
	_ =	sdelay $0x3  }
0x34: {  	[smem:$0x3FB0] =	sst s10  }
0x35: {  	s10 =	sld [smem:$0x3FAF];
	_ =	sdelay $0x3  }
0x36: {  	p1 =	seq.s32 s10, $0x1;
	s10 =	sld [smem:$0x3FB0];
	_ =	sdelay $0x3  }
0x37: {  	[smem:$0x3FB0] =	sst s10  }
0x38: {  	s10 =	sld [smem:$0x3FB1]  }
0x39: {  	_ = 	snop;
	(pc) =	sbr.ind lr, $3  }
0x3a: {  	_ = 	snop  }
0x3b: {  	_ = 	snop  }
0x3c: {  	p2 =	seq.s32 s10, $0x1;
	s10 =	sld [smem:$0x3FB0]  }
0x3d: {  	_ =	shalt  }
0x3e: {  	_ =	shalt  }
0x3f: {  	_ =	shalt  }
0x40: {  	_ =	shalt  }
0x41: {  	_ =	shalt  }
0x42: {  	_ =	shalt  }
0x43: {  	_ =	shalt  }
0x44: {  	_ =	shalt  }
0x45: {  	_ =	shalt  }
0x46: {  	_ =	shalt  }
0x47: {  	_ =	shalt  }
0x48: {  	_ =	shalt  }
0x49: {  	_ =	shalt  }
0x4a: {  	_ =	shalt  }
0x4b: {  	_ =	shalt  }
0x4c: {  	_ =	shalt  }
0x4d: {  	_ =	shalt  }
0x4e: {  	_ =	shalt  }
0x4f: {  	_ =	shalt  }
0x50: {  	_ =	shalt  }
0x51: {  	_ =	shalt  }
0x52: {  	_ =	shalt  }
0x53: {  	_ =	shalt  }
0x54: {  	_ =	shalt  }
0x55: {  	_ =	shalt  }
0x56: {  	_ =	shalt  }
0x57: {  	_ =	shalt  }
0x58: {  	_ =	shalt  }
0x59: {  	_ =	shalt  }
0x5a: {  	_ =	shalt  }
0x5b: {  	_ =	shalt  }
0x5c: {  	_ =	shalt  }
0x5d: {  	_ =	shalt  }
0x5e: {  	_ =	shalt  }
0x5f: {  	_ =	shalt  }
0x60: {  	_ =	shalt  }
0x61: {  	_ =	shalt  }
0x62: {  	_ =	shalt  }
0x63: {  	_ =	shalt  }
0x64: {  	_ =	shalt  }
0x65: {  	_ =	shalt  }
0x66: {  	_ =	shalt  }
0x67: {  	_ =	shalt  }
0x68: {  	_ =	shalt  }
0x69: {  	_ =	shalt  }
0x6a: {  	_ =	shalt  }
0x6b: {  	_ =	shalt  }
0x6c: {  	_ =	shalt  }
0x6d: {  	_ =	shalt  }
0x6e: {  	_ =	shalt  }
0x6f: {  	_ =	shalt  }
0x70: {  	_ =	shalt  }
0x71: {  	_ =	shalt  }
0x72: {  	_ =	shalt  }
0x73: {  	_ =	shalt  }
0x74: {  	_ =	shalt  }
0x75: {  	_ =	shalt  }
0x76: {  	_ =	shalt  }
0x77: {  	_ =	shalt  }
0x78: {  	_ =	shalt  }
0x79: {  	_ =	shalt  }
0x7a: {  	_ =	shalt  }
0x7b: {  	_ =	shalt  }
0x7c: {  	_ =	shalt  }
0x7d: {  	_ =	shalt  }
0x7e: {  	_ =	shalt  }
0x7f: {  	_ =	shalt  }
0x80: {  	_ =	shalt  }
0x81: {  	_ =	shalt  }
0x82: {  	_ =	shalt  }
0x83: {  	_ =	shalt  }
0x84: {  	_ =	shalt  }
0x85: {  	_ =	shalt  }
0x86: {  	_ =	shalt  }
0x87: {  	_ =	shalt  }
.Lfunc_end0:
.L_simem_size_0:
called_computation.2_lowered:
.L_overlay_start_0:
0x88: {  	s2 =	sld [smem:$0x3FD9]  }
0x89: {  	s3 =	sld [smem:$0x3FFE];
	_ =	sdelay $0x1  }
0x8a: {  	s1 =	srdreg.scid  }
0x8b: {  	s0 =	sand.u32 $0x1, s1  }
0x8c: {  	s16 =	sshll.u32 s0, $0xA;
	s2 =	sadd.s32 s3, s2  }
0x8d: {  	s2 =	sadd.s32 s2, s16  }
0x8e: {  	[smem:$0x3FBC] =	sst s2  }
0x8f: {  	_ = 	snop  }
0x90: {  	(tm) =	ssettm $0x1  }
0x91: {  	s17 =	sld [smem:$0x3FFB];
	_ =	sdelay $0x3  }
0x92: {  	_ =	strace s17  }
0x93: {  	s2 =	sld [smem:$0x3FFC];
	_ =	sdelay $0x3  }
0x94: {  	_ =	strace s2  }
0x95: {  	s2 =	sld [smem:$0x3FFD];
	_ =	sdelay $0x3  }
0x96: {  	_ =	strace s2  }
0x97: {  	_ =	strace $0x8FFFFFFF  }
0x98: {  	s18 =	sld [smem:$0x3FDB];
	_ =	sdelay $0x1  }
0x99: {  	s19 =	simm.s32 $_scs_section_size  }
0x9a: {  	s4 =	simm.s32 $_size__tile_overlayer_lowered;
	s5 =	simm.s32 $_tile_overlayer_lowered  }
0x9b: {  	s22 =	simm.s32 $0x1BFF;
	s21 =	sshll.u32 s5, $0x1;
	s2 =	sadd.s32 s19, s18  }
0x9c: {  	s6 =	simm.s32 $0x0;
	s20 =	sshll.u32 s4, $0x1;
	s4 =	sadd.s32 s21, s2  }
0x9d: {  	[timem:s6], [sflag:s22] =	dma.local [hbm:s4], s20  }
0x9e: {  	_ =	swait.ge [sflag:s22], s20  }
0x9f: {  	s3 =	ssub.s32 $0x0, s20;
	[sflag:s22] =	ssyncset.done $0x0  }
0xa0: {  	[sflag:s22] =	ssyncadd.s32 s3;
	_ =	sdelay $0x1  }
0xa1: {  	s23 =	simm.s32 $0x1B8B  }
0xa2: {  	_ =	swait.ge [sflag:s23], $0x1  }
0xa3: {  	[sflag:s23] =	ssyncset.done $0x0  }
0xa4: {  	s25 =	simm.s32 $0x1B8E;
	s24 =	sld [smem:$0x3FFE];
	[sflag:s23] =	ssyncadd.s32 $0xFFFFFFFF  }
0xa5: {  	s26 =	simm.s32 $execute0_lowered;
	[smem:$0x3FD2] =	sst s25  }
0xa6: {  	s4 =	sshll.u32 s26, $0x1;
	_ =	strace $0x8000004C;
	[dreg:$0x1] =	wrdreg $0xFFFFFFFF  }
0xa7: {  	s28 =	simm.s32 $_size_execute0_lowered;
	s2 =	sadd.s32 s2, s4;
	[dreg:$0x0] =	wrdreg $0x0  }
0xa8: {  	s4 =	sshll.u32 s28, $0x1;
	[dreg:$0x2] =	wrdreg s2  }
0xa9: {  	[dreg:$0x3] =	wrdreg s4  }
0xaa: {  	[dreg:$0x4] =	wrdreg $0xC0  }
0xab: {  	_ =	task [dreg:s6], $0x5FFFF  }
0xac: {  	[dreg:$0x1] =	wrdreg $0xFFFFFFFF  }
0xad: {  	[dreg:$0x0] =	wrdreg $0x60  }
0xae: {  	[dreg:$0x2] =	wrdreg s24  }
0xaf: {  	[dreg:$0x3] =	wrdreg $0x90000  }
0xb0: {  	[dreg:$0x4] =	wrdreg $0x9  }
0xb1: {  	_ =	task.clear_ibuf [dreg:s6], $0x5FFFF;
	_ =	strace $0x9000004C  }
0xb2: {  	s29 =	simm.s32 $0x9;
	_ =	strace $0x8000004E  }
0xb3: {  	_ =	swait.ge [sflag:s29], $0x1  }
0xb4: {  	[sflag:s29] =	ssyncadd.s32 $0xFFFFFFFF  }
0xb5: {  	_ =	strace $0x9000004E  }
0xb6: {  	_ =	sfence  }
0xb7: {  	s30 =	sld [smem:$0x0];
	_ =	sdelay $0x2  }
0xb8: {  	s31 =	sshll.u32 s1, $0xD;
	s1 =	sshrl.u32 s1, $0x2  }
0xb9: {  	s3 =	sand.u32 $0x4000, s31;
	s1 =	sadd.s32 s1, s30  }
0xba: {  	s0 =	sor.u32 s3, s0;
	s1 =	sshll.u32 s1, $0x11  }
0xbb: {  	s0 =	sor.u32 s1, s0  }
0xbc: {  	s0 =	sadd.s32 $0x8F2B, s0  }
0xbd: {  	[sflag:s0] =	ssyncadd.remote.s32 $0x1  }
0xbe: {  	_ =	sfence.sel $0xFFFF  }
0xbf: {  	[dreg:$0x0] =	wrdreg $0xFFFFFFFF;
	(pc) =	sbr.abs _section_cstart, $3  }
0xc0: {  	[dreg:$0x1] =	wrdreg $0xFFFFFFFF  }
0xc1: {  	_ =	task.clear_ibuf [dreg:s6], $0x2FFFF;
	_ =	strace $0x9FFFFFFF  }
0xc2: {  	(tm) =	ssettm $0x7FFFFFFF  }
0xc3: {  	_ =	shalt  }
tec
execute0_lowered:
.L_overlay_start_1:
0x0: {  	(tag) =	ssettag $0x1  }
0x1: {  	s0 =	rddreg [dreg:$0x0]  }
0x2: {  	s1 =	rddreg [dreg:$0x1];
	s3 =	simm.s32 $0x0;
	s2 =	srdreg.scid  }
0x3: {  	s9 =	stileid.u32;
	s12 =	simm.s32 $0x3;
	s13 =	simm.s32 $0x800  }
0x4: {  	s14 =	simm.s32 $0x80;
	s15 =	simm.s32 $0x1000;
	s16 =	simm.s32 $0x1  }
0x5: {  	s17 =	simm.s32 $0x5000;
	s19 =	simm.s32 $0x2;
	s31 =	simm.s32 $0xD00  }
0x6: {  	s11 =	simm.s32 $0x780;
	s18 =	simm.s32 $0xF80;
	s4 =	smul.u32 $0x90, s9  }
0x7: {  	[smem:$0x7FF] =	sst s3;
	s2 =	sand.u32 $0x1, s2;
	s7 =	smul.u32 $0x14000, s9  }
0x8: {  	s5 =	sshll.u32 s9, $0x4;
	s8 =	smul.u32 $0x50000, s9;
	s10 =	sadd.s32 $0x3E400, s0  }
0x9: {  	s24 =	sshll.u32 s9, $0x6;
	s9 =	simm.s32 $0xE80;
	p0 =	seq.s32 s2, $0x0  }
0xa: {  	s5 =	sor.u32 $0x900, s5;
	s6 =	smul.u32 $0x140000, s2;
	_ =	strace $0x8000004D  }
0xb: {  	s21 =	ssub.s32 $0x2, s2;
	[dreg:$0x3] =	wrdreg s10;
	s29 =	sor.u32 $0x1C03, s24  }
0xc: {  	s24 =	simm.s32 $0x480;
	s10 =	simm.s32 $0x700;
	s5 =	smov.u32 @p0 s4  }
0xd: {  	s4 =	sadd.s32 $0x17200, s0;
	s22 =	sshrl.u32 s21, $0x1;
	s23 =	sshrl.u32 s8, $0x2  }
0xe: {  	p0 =	sne.s32 s2, $0x0;
	[dreg:$0x4] =	wrdreg s29;
	s2 =	simm.s32 $0xD80  }
0xf: {  	s8 =	simm.s32 $0x680;
	s5 =	sshll.u32 s5, $0x4;
	s6 =	sadd.s32 s7, s6  }
0x10: {  	s7 =	sadd.s32 s23, s1;
	s23 =	simm.s32 $0xC00;
	s5 =	sadd.s32 s5, s0  }
0x11: {  	s6 =	sshrl.u32 s6, $0x3;
	s30 =	sshrl.u32 s7, $0x3;
	s7 =	simm.s32 $0xE00  }
0x12: {  	s0 =	sadd.s32 s6, s0;
	s6 =	ssub.s32 s21, s22;
	s26 =	sadd.s32 $0xD200, s5  }
0x13: {  	s28 =	sadd.s32 $0x3200, s5;
	[dreg:$0x9] =	wrdreg s30;
	s21 =	simm.s32 $0xB80  }
0x14: {  	s22 =	simm.s32 $0x400;
	s5 =	simm.s32 $0x600;
	[dreg:$0x7] =	wrdreg s26  }
0x15: {  	s0 =	sadd.s32 $0x40C00, s0;
	s25 =	smax.u32 s6, $0x1;
	[dreg:$0x8] =	wrdreg s28  }
0x16: {  	s26 =	simm.s32 $0x500;
	s6 =	simm.s32 $0xF00;
	[dreg:$0x5] =	wrdreg s0  }
0x17: {  	[dreg:$0x6] =	wrdreg s25;
	s0 =	simm.s32 $0x0;
	s25 =	simm.s32 $0xC80  }
.LBB2_1:
0x18: {  	[dreg:$0xa] =	wrdreg s0  }
0x19: {  	s28 =	rddreg [dreg:$0x3]  }
0x1a: {  	[spmem:s30], [sflag:s29] =	dma.local [hbm:s28], $0x2800  }
0x1b: {  	_ =	swait.ge [sflag:s12], $0x2800  }
0x1c: {  	[sflag:s12] =	ssyncset.done $0x0  }
0x1d: {  	[sflag:s12] =	ssyncadd.s32 $0xFFFFD800  }
0x1e: {  	[bflag:$0x0] =	sbarrier.arrive $0xFFFF  }
0x1f: {  	s28 =	rddreg [dreg:$0x8]  }
0x20: {  	s0 =	simm.s32 $0x580;
	s30 =	simm.s32 $0x0;
	s29 =	rddreg [dreg:$0x7]  }
.LBB2_2:
0x21: {  	[tilespmem:s3], [sflag:$0x3] =	stream.linear.gather [hbm4b:s28+s3], $0x800, $0x38;
	[tilespmem:$0x1D000] =	vst v63  }
0x22: {  	_ =	swait.ge [sflag:s12], $0x800  }
0x23: {  	[sflag:s12] =	ssyncset.done $0x0  }
0x24: {  	[sflag:s12] =	ssyncadd.s32 $0xFFFFF800  }
0x25: {  	[tilespmem:s13], [sflag:$0x3] =	stream.linear.gather [hbm4b:s29+s3], $0x800, $0x38;
	[tilespmem:$0x1D000] =	vst v63  }
0x26: {  	_ =	swait.ge [sflag:s12], $0x800  }
0x27: {  	[sflag:s12] =	ssyncset.done $0x0  }
0x28: {  	[sflag:s12] =	ssyncadd.s32 $0xFFFFF800  }
0x29: {  	[tilespmem:s15], [sflag:$0x1] =	stream.indirect.gather [hbm4b:s4+s14], $0x80, s3, s14, $0xb8;
	[tilespmem:$0x1D000] =	vst v63  }
0x2a: {  	_ =	swait.ge [sflag:s16], $0x4000  }
0x2b: {  	[sflag:s16] =	ssyncset.done $0x0  }
0x2c: {  	[sflag:s16] =	ssyncadd.s32 $0xFFFFC000  }
0x2d: {  	[spmem:s1] =	stream.indirect.scatter.add.f32 [tilespmem:s15], [sflag:$0x2], $0x80, s13, s14, $0xb8;
	[tilespmem:$0x1D000] =	vst v63  }
0x2e: {  	_ = 	snop  }
0x2f: {  	[tilespmem:s17], [sflag:$0x1] =	stream.indirect.gather [hbm4b:s4+s14], $0x80, s14, s14, $0xb8;
	[tilespmem:$0x1D000] =	vst v63  }
0x30: {  	_ =	swait.ge [sflag:s16], $0x4000  }
0x31: {  	[sflag:s16] =	ssyncset.done $0x0  }
0x32: {  	s20 =	simm.s32 $0x880;
	[sflag:s16] =	ssyncadd.s32 $0xFFFFC000  }
0x33: {  	[spmem:s1] =	stream.indirect.scatter.add.f32 [tilespmem:s17], [sflag:$0x2], $0x80, s20, s14, $0xb8;
	[tilespmem:$0x1D000] =	vst v63  }
0x34: {  	_ =	swait.ge [sflag:s19], $0x4000  }
0x35: {  	[sflag:s19] =	ssyncset.done $0x0  }
0x36: {  	s20 =	simm.s32 $0x100;
	[sflag:s19] =	ssyncadd.s32 $0xFFFFC000  }
0x37: {  	[tilespmem:s15], [sflag:$0x1] =	stream.indirect.gather [hbm4b:s4+s14], $0x80, s20, s14, $0xb8;
	[tilespmem:$0x1D000] =	vst v63  }
0x38: {  	_ =	swait.ge [sflag:s16], $0x4000  }
0x39: {  	[sflag:s16] =	ssyncset.done $0x0  }
0x3a: {  	s20 =	simm.s32 $0x900;
	[sflag:s16] =	ssyncadd.s32 $0xFFFFC000  }
0x3b: {  	[spmem:s1] =	stream.indirect.scatter.add.f32 [tilespmem:s15], [sflag:$0x2], $0x80, s20, s14, $0xb8;
	[tilespmem:$0x1D000] =	vst v63  }
0x3c: {  	_ =	swait.ge [sflag:s19], $0x4000  }
0x3d: {  	[sflag:s19] =	ssyncset.done $0x0  }
0x3e: {  	s20 =	simm.s32 $0x180;
	[sflag:s19] =	ssyncadd.s32 $0xFFFFC000  }
0x3f: {  	[tilespmem:s17], [sflag:$0x1] =	stream.indirect.gather [hbm4b:s4+s14], $0x80, s20, s14, $0xb8;
	[tilespmem:$0x1D000] =	vst v63  }
0x40: {  	_ =	swait.ge [sflag:s16], $0x4000  }
0x41: {  	[sflag:s16] =	ssyncset.done $0x0  }
0x42: {  	s20 =	simm.s32 $0x980;
	[sflag:s16] =	ssyncadd.s32 $0xFFFFC000  }
0x43: {  	[spmem:s1] =	stream.indirect.scatter.add.f32 [tilespmem:s17], [sflag:$0x2], $0x80, s20, s14, $0xb8;
	[tilespmem:$0x1D000] =	vst v63  }
0x44: {  	_ =	swait.ge [sflag:s19], $0x4000  }
0x45: {  	[sflag:s19] =	ssyncset.done $0x0  }
0x46: {  	s20 =	simm.s32 $0x200;
	[sflag:s19] =	ssyncadd.s32 $0xFFFFC000  }
0x47: {  	[tilespmem:s15], [sflag:$0x1] =	stream.indirect.gather [hbm4b:s4+s14], $0x80, s20, s14, $0xb8;
	[tilespmem:$0x1D000] =	vst v63  }
0x48: {  	_ =	swait.ge [sflag:s16], $0x4000  }
0x49: {  	[sflag:s16] =	ssyncset.done $0x0  }
0x4a: {  	s20 =	simm.s32 $0xA00;
	[sflag:s16] =	ssyncadd.s32 $0xFFFFC000  }
0x4b: {  	[spmem:s1] =	stream.indirect.scatter.add.f32 [tilespmem:s15], [sflag:$0x2], $0x80, s20, s14, $0xb8;
	[tilespmem:$0x1D000] =	vst v63  }
0x4c: {  	_ =	swait.ge [sflag:s19], $0x4000  }
0x4d: {  	[sflag:s19] =	ssyncset.done $0x0  }
0x4e: {  	s20 =	simm.s32 $0x280;
	[sflag:s19] =	ssyncadd.s32 $0xFFFFC000  }
0x4f: {  	[tilespmem:s17], [sflag:$0x1] =	stream.indirect.gather [hbm4b:s4+s14], $0x80, s20, s14, $0xb8;
	[tilespmem:$0x1D000] =	vst v63  }
0x50: {  	_ =	swait.ge [sflag:s16], $0x4000  }
0x51: {  	[sflag:s16] =	ssyncset.done $0x0  }
0x52: {  	s20 =	simm.s32 $0xA80;
	[sflag:s16] =	ssyncadd.s32 $0xFFFFC000  }
0x53: {  	[spmem:s1] =	stream.indirect.scatter.add.f32 [tilespmem:s17], [sflag:$0x2], $0x80, s20, s14, $0xb8;
	[tilespmem:$0x1D000] =	vst v63  }
0x54: {  	_ =	swait.ge [sflag:s19], $0x4000  }
0x55: {  	[sflag:s19] =	ssyncset.done $0x0  }
0x56: {  	s20 =	simm.s32 $0x300;
	[sflag:s19] =	ssyncadd.s32 $0xFFFFC000  }
0x57: {  	[tilespmem:s15], [sflag:$0x1] =	stream.indirect.gather [hbm4b:s4+s14], $0x80, s20, s14, $0xb8;
	[tilespmem:$0x1D000] =	vst v63  }
0x58: {  	_ =	swait.ge [sflag:s16], $0x4000  }
0x59: {  	[sflag:s16] =	ssyncset.done $0x0  }
0x5a: {  	s20 =	simm.s32 $0xB00;
	[sflag:s16] =	ssyncadd.s32 $0xFFFFC000  }
0x5b: {  	[spmem:s1] =	stream.indirect.scatter.add.f32 [tilespmem:s15], [sflag:$0x2], $0x80, s20, s14, $0xb8;
	[tilespmem:$0x1D000] =	vst v63  }
0x5c: {  	_ =	swait.ge [sflag:s19], $0x4000  }
0x5d: {  	[sflag:s19] =	ssyncset.done $0x0  }
0x5e: {  	s20 =	simm.s32 $0x380;
	[sflag:s19] =	ssyncadd.s32 $0xFFFFC000  }
0x5f: {  	[tilespmem:s17], [sflag:$0x1] =	stream.indirect.gather [hbm4b:s4+s14], $0x80, s20, s14, $0xb8;
	[tilespmem:$0x1D000] =	vst v63  }
0x60: {  	_ =	swait.ge [sflag:s16], $0x4000  }
0x61: {  	[sflag:s16] =	ssyncset.done $0x0  }
0x62: {  	[sflag:s16] =	ssyncadd.s32 $0xFFFFC000  }
0x63: {  	[spmem:s1] =	stream.indirect.scatter.add.f32 [tilespmem:s17], [sflag:$0x2], $0x80, s21, s14, $0xb8;
	[tilespmem:$0x1D000] =	vst v63  }
0x64: {  	_ =	swait.ge [sflag:s19], $0x4000  }
0x65: {  	[sflag:s19] =	ssyncset.done $0x0  }
0x66: {  	[sflag:s19] =	ssyncadd.s32 $0xFFFFC000  }
0x67: {  	[tilespmem:s15], [sflag:$0x1] =	stream.indirect.gather [hbm4b:s4+s14], $0x80, s22, s14, $0xb8;
	[tilespmem:$0x1D000] =	vst v63  }
0x68: {  	_ =	swait.ge [sflag:s16], $0x4000  }
0x69: {  	[sflag:s16] =	ssyncset.done $0x0  }
0x6a: {  	[sflag:s16] =	ssyncadd.s32 $0xFFFFC000  }
0x6b: {  	[spmem:s1] =	stream.indirect.scatter.add.f32 [tilespmem:s15], [sflag:$0x2], $0x80, s23, s14, $0xb8;
	[tilespmem:$0x1D000] =	vst v63  }
0x6c: {  	_ =	swait.ge [sflag:s19], $0x4000  }
0x6d: {  	[sflag:s19] =	ssyncset.done $0x0  }
0x6e: {  	[sflag:s19] =	ssyncadd.s32 $0xFFFFC000  }
0x6f: {  	[tilespmem:s17], [sflag:$0x1] =	stream.indirect.gather [hbm4b:s4+s14], $0x80, s24, s14, $0xb8;
	[tilespmem:$0x1D000] =	vst v63  }
0x70: {  	_ =	swait.ge [sflag:s16], $0x4000  }
0x71: {  	[sflag:s16] =	ssyncset.done $0x0  }
0x72: {  	[sflag:s16] =	ssyncadd.s32 $0xFFFFC000  }
0x73: {  	[spmem:s1] =	stream.indirect.scatter.add.f32 [tilespmem:s17], [sflag:$0x2], $0x80, s25, s14, $0xb8;
	[tilespmem:$0x1D000] =	vst v63  }
0x74: {  	_ =	swait.ge [sflag:s19], $0x4000  }
0x75: {  	[sflag:s19] =	ssyncset.done $0x0  }
0x76: {  	[sflag:s19] =	ssyncadd.s32 $0xFFFFC000  }
0x77: {  	[tilespmem:s15], [sflag:$0x1] =	stream.indirect.gather [hbm4b:s4+s14], $0x80, s26, s14, $0xb8;
	[tilespmem:$0x1D000] =	vst v63  }
0x78: {  	_ =	swait.ge [sflag:s16], $0x4000  }
0x79: {  	[sflag:s16] =	ssyncset.done $0x0  }
0x7a: {  	[sflag:s16] =	ssyncadd.s32 $0xFFFFC000  }
0x7b: {  	[spmem:s1] =	stream.indirect.scatter.add.f32 [tilespmem:s15], [sflag:$0x2], $0x80, s31, s14, $0xb8;
	[tilespmem:$0x1D000] =	vst v63  }
0x7c: {  	_ =	swait.ge [sflag:s19], $0x4000  }
0x7d: {  	[sflag:s19] =	ssyncset.done $0x0  }
0x7e: {  	[sflag:s19] =	ssyncadd.s32 $0xFFFFC000  }
0x7f: {  	[tilespmem:s17], [sflag:$0x1] =	stream.indirect.gather [hbm4b:s4+s14], $0x80, s0, s14, $0xb8;
	[tilespmem:$0x1D000] =	vst v63  }
0x80: {  	_ =	swait.ge [sflag:s16], $0x4000  }
0x81: {  	[sflag:s16] =	ssyncset.done $0x0  }
0x82: {  	[sflag:s16] =	ssyncadd.s32 $0xFFFFC000  }
0x83: {  	[spmem:s1] =	stream.indirect.scatter.add.f32 [tilespmem:s17], [sflag:$0x2], $0x80, s2, s14, $0xb8;
	[tilespmem:$0x1D000] =	vst v63  }
0x84: {  	_ =	swait.ge [sflag:s19], $0x4000  }
0x85: {  	[sflag:s19] =	ssyncset.done $0x0  }
0x86: {  	[sflag:s19] =	ssyncadd.s32 $0xFFFFC000  }
0x87: {  	[tilespmem:s15], [sflag:$0x1] =	stream.indirect.gather [hbm4b:s4+s14], $0x80, s5, s14, $0xb8;
	[tilespmem:$0x1D000] =	vst v63  }
0x88: {  	_ =	swait.ge [sflag:s16], $0x4000  }
0x89: {  	[sflag:s16] =	ssyncset.done $0x0  }
0x8a: {  	[sflag:s16] =	ssyncadd.s32 $0xFFFFC000  }
0x8b: {  	[spmem:s1] =	stream.indirect.scatter.add.f32 [tilespmem:s15], [sflag:$0x2], $0x80, s7, s14, $0xb8;
	[tilespmem:$0x1D000] =	vst v63  }
0x8c: {  	_ =	swait.ge [sflag:s19], $0x4000  }
0x8d: {  	[sflag:s19] =	ssyncset.done $0x0  }
0x8e: {  	[sflag:s19] =	ssyncadd.s32 $0xFFFFC000  }
0x8f: {  	[tilespmem:s17], [sflag:$0x1] =	stream.indirect.gather [hbm4b:s4+s14], $0x80, s8, s14, $0xb8;
	[tilespmem:$0x1D000] =	vst v63  }
0x90: {  	_ =	swait.ge [sflag:s16], $0x4000  }
0x91: {  	[sflag:s16] =	ssyncset.done $0x0  }
0x92: {  	[sflag:s16] =	ssyncadd.s32 $0xFFFFC000  }
0x93: {  	[spmem:s1] =	stream.indirect.scatter.add.f32 [tilespmem:s17], [sflag:$0x2], $0x80, s9, s14, $0xb8;
	[tilespmem:$0x1D000] =	vst v63  }
0x94: {  	_ =	swait.ge [sflag:s19], $0x4000  }
0x95: {  	[sflag:s19] =	ssyncset.done $0x0  }
0x96: {  	[sflag:s19] =	ssyncadd.s32 $0xFFFFC000  }
0x97: {  	[tilespmem:s15], [sflag:$0x1] =	stream.indirect.gather [hbm4b:s4+s14], $0x80, s10, s14, $0xb8;
	[tilespmem:$0x1D000] =	vst v63  }
0x98: {  	_ =	swait.ge [sflag:s16], $0x4000  }
0x99: {  	[sflag:s16] =	ssyncset.done $0x0  }
0x9a: {  	[sflag:s16] =	ssyncadd.s32 $0xFFFFC000  }
0x9b: {  	[spmem:s1] =	stream.indirect.scatter.add.f32 [tilespmem:s15], [sflag:$0x2], $0x80, s6, s14, $0xb8;
	[tilespmem:$0x1D000] =	vst v63  }
0x9c: {  	_ =	swait.ge [sflag:s19], $0x4000  }
0x9d: {  	[sflag:s19] =	ssyncset.done $0x0  }
0x9e: {  	[sflag:s19] =	ssyncadd.s32 $0xFFFFC000  }
0x9f: {  	[tilespmem:s17], [sflag:$0x1] =	stream.indirect.gather [hbm4b:s4+s14], $0x80, s11, s14, $0xb8;
	[tilespmem:$0x1D000] =	vst v63  }
0xa0: {  	_ =	swait.ge [sflag:s16], $0x4000  }
0xa1: {  	[sflag:s16] =	ssyncset.done $0x0  }
0xa2: {  	p1 =	slt.u32 @!p0 s30, $0x8;
	[sflag:s16] =	ssyncadd.s32 $0xFFFFC000  }
0xa3: {  	[spmem:s1] =	stream.indirect.scatter.add.f32 [tilespmem:s17], [sflag:$0x2], $0x80, s18, s14, $0xb8;
	[tilespmem:$0x1D000] =	vst v63  }
0xa4: {  	p1 =	por p0, !p1;
	_ =	swait.ge [sflag:s19], $0x4000  }
.Ltmp0:
0xa5: {  	[sflag:s19] =	ssyncset.done $0x0;
	(pc) =	sbr.rel @!p1 .LBB2_2-.Ltmp0, $4  }
0xa6: {  	[sflag:s19] =	ssyncadd.s32 $0xFFFFC000  }
0xa7: {  	_ =	swait.ge [sflag:s19], $0x4000  }
0xa8: {  	s30 =	sadd.s32 $0x1, s30;
	[sflag:s19] =	ssyncset.done $0x0  }
0xa9: {  	s28 =	sadd.s32 $0x100, s28;
	s29 =	sadd.s32 $0x100, s29;
	[sflag:s19] =	ssyncadd.s32 $0xFFFFC000  }
0xaa: {  	[bflag:$0x0] =	sbarrier.arrive $0xFFFF  }
0xab: {  	s29 =	rddreg [dreg:$0x4]  }
0xac: {  	s28 =	rddreg [dreg:$0x5]  }
0xad: {  	s30 =	rddreg [dreg:$0x9]  }
0xae: {  	[hbm:s28], [sflag:s29] =	dma.local [spmem:s30], $0x2800  }
0xaf: {  	_ =	swait.ge [sflag:s12], $0x2800  }
0xb0: {  	s0 =	rddreg [dreg:$0xa]  }
0xb1: {  	s20 =	rddreg [dreg:$0x6];
	s0 =	sadd.s32 $0x1, s0  }
0xb2: {  	p1 =	sne.s32 s0, s20  }
.Ltmp1:
0xb3: {  	_ = 	snop;
	(pc) =	sbr.rel @p1 .LBB2_1-.Ltmp1, $3  }
0xb4: {  	_ =	sdelay $0x1  }
0xb5: {  	[sflag:s12] =	ssyncset.done $0x0  }
0xb6: {  	[sflag:s12] =	ssyncadd.s32 $0xFFFFD800  }
0xb7: {  	_ =	sfence.sel $0x180000  }
0xb8: {  	[bflag:$0x0] =	sbarrier.arrive $0xFFFF  }
0xb9: {  	_ =	strace $0x9000004D  }
0xba: {  	s0 =	stileid.u32;
	[bflag:$0x2] =	sbarrier.arrive $0xFFFF  }
0xbb: {  	p0 =	sne.s32 s0, $0x0;
	s0 =	rddreg [dreg:$0x2]  }
0xbc: {  	s0 =	sadd.s32 @!p0 $0x100000, s0  }
0xbd: {  	[sflag:s0] =	ssyncadd.tile.s32 @!p0 $0x1;
	_ =	shalt  }
.Lfunc_end2:
_tile_overlayer_lowered:
.L_overlay_start_2:
0xbe: {  	(tag) =	ssettag $0x2  }
0xbf: {  	s0 =	rddreg [dreg:$0x0];
	s2 =	stileid.u32  }
0xc0: {  	s1 =	rddreg [dreg:$0x1];
	p0 =	sne.s32 s2, $0x0  }
0xc1: {  	s3 =	rddreg [dreg:$0x2];
	[bflag:$0x3] =	sbarrier.arrive $0xFFFF;
	s2 =	simm.s32 @!p0 $0x1C03  }
0xc2: {  	[timem:s3], [sflag:s2] =	dma.local @!p0 [hbm:s0], s1  }
0xc3: {  	s0 =	simm.s32 @!p0 $0x3  }
0xc4: {  	_ =	swait.ge @!p0 [sflag:s0], s1  }
0xc5: {  	s1 =	ssub.s32 @!p0 $0x0, s1;
	[sflag:s0] =	ssyncset.done @!p0 $0x0  }
0xc6: {  	[sflag:s0] =	ssyncadd.s32 @!p0 s1  }
0xc7: {  	[bflag:$0x3] =	sbarrier.arrive $0xFFFF  }
0xc8: {  	_ =	shalt  }

// kernel: kernel.9.cloned.1.call-start
scs
__scs_entry_jumppad:
0x0: {  	(pc) =	sbr.rel $0x88, $3  }
0x1: {  	(tag) =	ssettag $0x0;
	lr =	simm.s32 $0x1  }
0x2: {  	[smem:$0x3F95] =	sst lr;
	_ =	strace $0xD0000000  }
0x3: {  	_ = 	snop  }
0x4: {  	_ = 	snop  }
0x5: {  	_ = 	snop  }
0x6: {  	_ = 	snop  }
0x7: {  	_ = 	snop  }
__scs_overlays_trampoline_lowered:
0x8: {  	[smem:$0x3FA4] =	sst s0  }
0x9: {  	[smem:$0x3FA5] =	sst s1  }
0xa: {  	[smem:$0x3FA6] =	sst s2  }
0xb: {  	[smem:$0x3FA7] =	sst s3  }
0xc: {  	[smem:$0x3FA8] =	sst s4  }
0xd: {  	[smem:$0x3FA9] =	sst s5  }
0xe: {  	[smem:$0x3FAA] =	sst s6  }
0xf: {  	[smem:$0x3FAB] =	sst s7  }
0x10: {  	[smem:$0x3FAC] =	sst s8  }
0x11: {  	[smem:$0x3FAD] =	sst s9;
	s0 =	simm.s32 @!p0 $0x0  }
0x12: {  	s1 =	sld [smem:$0x3F93];
	s0 =	simm.s32 @p0 $0x1  }
0x13: {  	[smem:$0x3FAE] =	sst s0;
	s0 =	simm.s32 @!p1 $0x0  }
0x14: {  	s2 =	sld [smem:$0x3F92];
	s0 =	simm.s32 @p1 $0x1  }
0x15: {  	[smem:$0x3FAF] =	sst s0;
	s0 =	simm.s32 @!p2 $0x0  }
0x16: {  	s3 =	sld [smem:$0x3FDB];
	s0 =	simm.s32 @p2 $0x1  }
0x17: {  	s4 =	simm.s32 $0x1BF5;
	[smem:$0x3FB1] =	sst s0  }
0x18: {  	s0 =	sld [smem:$0x3F94];
	_ =	swait.ge [sflag:s4], $0x0  }
0x19: {  	s7 =	sld [smem:$0x3F95]  }
0x1a: {  	s8 =	sadd.s32 $0xFFFFE003, lr  }
0x1b: {  	s9 =	sadd.s32 $0xFFFFFEF7, lr;
	s5 =	simm.s32 $0xFFFFFFFF;
	p2 =	slt.u32 s8, $0xFFFFF086  }
0x1c: {  	p1 =	slt.u32 s9, $0xF7A;
	s5 =	simm.s32 @!p2 $0x0  }
0x1d: {  	s5 =	simm.s32 @p1 $0x1;
	p0 =	seq.s32 s7, s2  }
0x1e: {  	s7 =	smul.u32 @!p0 $0xF7A, s2;
	p2 =	seq.s32 @!p0 s5, $0x0  }
0x1f: {  	s9 =	smul.u32 $0xF7A, s1;
	s8 =	simm.s32 @!p0 $0x1BF5;
	p2 =	por !p2, p0  }
0x20: {  	[sflag:s8] =	ssyncset.s32 @!p0 $0xFFFFF086;
	s6 =	sadd.s32 @!p0 s3, s7;
	s7 =	simm.s32 @!p0 $0x108  }
0x21: {  	s3 =	sadd.s32 s3, s9;
	s6 =	sadd.s32 @!p0 $0x88, s6;
	s7 =	simm.s32 @p2 $0x1082  }
0x22: {  	[simem:s7], [sflag:s8] =	dma.local @!p0 [hbm:s6], $0xF7A  }
0x23: {  	s9 =	sor.u32 $0xD0000000, s2;
	s6 =	simm.s32 $0x108;
	_ =	swait.ge @!p0 [sflag:s8], $0x0  }
0x24: {  	s3 =	sadd.s32 $0x88, s3;
	s6 =	simm.s32 @!p1 $0x1082;
	[sflag:s4] =	ssyncset.s32 $0xFFFFF086  }
0x25: {  	[simem:s6], [sflag:s4] =	dma.local [hbm:s3], $0xF7A  }
0x26: {  	[smem:$0x3F95] =	sst s1;
	(tag) =	ssettag s2;
	_ =	strace s9  }
0x27: {  	s1 =	sld [smem:$0x3FA5]  }
0x28: {  	s2 =	sld [smem:$0x3FA6]  }
0x29: {  	s4 =	sld [smem:$0x3FA8]  }
0x2a: {  	p0 =	seq.s32 s5, $0x0;
	s5 =	sld [smem:$0x3FA9]  }
0x2b: {  	s6 =	sld [smem:$0x3FAA]  }
0x2c: {  	s7 =	sld [smem:$0x3FAB]  }
0x2d: {  	s3 =	simm.s32 $0x108;
	s8 =	sld [smem:$0x3FAC]  }
0x2e: {  	s3 =	simm.s32 @!p0 $0x1082;
	s9 =	sld [smem:$0x3FAD]  }
0x2f: {  	lr =	sadd.s32 s0, s3;
	s0 =	sld [smem:$0x3FA4]  }
0x30: {  	s3 =	sld [smem:$0x3FA7]  }
0x31: {  	[smem:$0x3FB0] =	sst s10  }
0x32: {  	s10 =	sld [smem:$0x3FAE];
	_ =	sdelay $0x3  }
0x33: {  	p0 =	seq.s32 s10, $0x1;
	s10 =	sld [smem:$0x3FB0];
	_ =	sdelay $0x3  }
0x34: {  	[smem:$0x3FB0] =	sst s10  }
0x35: {  	s10 =	sld [smem:$0x3FAF];
	_ =	sdelay $0x3  }
0x36: {  	p1 =	seq.s32 s10, $0x1;
	s10 =	sld [smem:$0x3FB0];
	_ =	sdelay $0x3  }
0x37: {  	[smem:$0x3FB0] =	sst s10  }
0x38: {  	s10 =	sld [smem:$0x3FB1]  }
0x39: {  	_ = 	snop;
	(pc) =	sbr.ind lr, $3  }
0x3a: {  	_ = 	snop  }
0x3b: {  	_ = 	snop  }
0x3c: {  	p2 =	seq.s32 s10, $0x1;
	s10 =	sld [smem:$0x3FB0]  }
0x3d: {  	_ =	shalt  }
0x3e: {  	_ =	shalt  }
0x3f: {  	_ =	shalt  }
0x40: {  	_ =	shalt  }
0x41: {  	_ =	shalt  }
0x42: {  	_ =	shalt  }
0x43: {  	_ =	shalt  }
0x44: {  	_ =	shalt  }
0x45: {  	_ =	shalt  }
0x46: {  	_ =	shalt  }
0x47: {  	_ =	shalt  }
0x48: {  	_ =	shalt  }
0x49: {  	_ =	shalt  }
0x4a: {  	_ =	shalt  }
0x4b: {  	_ =	shalt  }
0x4c: {  	_ =	shalt  }
0x4d: {  	_ =	shalt  }
0x4e: {  	_ =	shalt  }
0x4f: {  	_ =	shalt  }
0x50: {  	_ =	shalt  }
0x51: {  	_ =	shalt  }
0x52: {  	_ =	shalt  }
0x53: {  	_ =	shalt  }
0x54: {  	_ =	shalt  }
0x55: {  	_ =	shalt  }
0x56: {  	_ =	shalt  }
0x57: {  	_ =	shalt  }
0x58: {  	_ =	shalt  }
0x59: {  	_ =	shalt  }
0x5a: {  	_ =	shalt  }
0x5b: {  	_ =	shalt  }
0x5c: {  	_ =	shalt  }
0x5d: {  	_ =	shalt  }
0x5e: {  	_ =	shalt  }
0x5f: {  	_ =	shalt  }
0x60: {  	_ =	shalt  }
0x61: {  	_ =	shalt  }
0x62: {  	_ =	shalt  }
0x63: {  	_ =	shalt  }
0x64: {  	_ =	shalt  }
0x65: {  	_ =	shalt  }
0x66: {  	_ =	shalt  }
0x67: {  	_ =	shalt  }
0x68: {  	_ =	shalt  }
0x69: {  	_ =	shalt  }
0x6a: {  	_ =	shalt  }
0x6b: {  	_ =	shalt  }
0x6c: {  	_ =	shalt  }
0x6d: {  	_ =	shalt  }
0x6e: {  	_ =	shalt  }
0x6f: {  	_ =	shalt  }
0x70: {  	_ =	shalt  }
0x71: {  	_ =	shalt  }
0x72: {  	_ =	shalt  }
0x73: {  	_ =	shalt  }
0x74: {  	_ =	shalt  }
0x75: {  	_ =	shalt  }
0x76: {  	_ =	shalt  }
0x77: {  	_ =	shalt  }
0x78: {  	_ =	shalt  }
0x79: {  	_ =	shalt  }
0x7a: {  	_ =	shalt  }
0x7b: {  	_ =	shalt  }
0x7c: {  	_ =	shalt  }
0x7d: {  	_ =	shalt  }
0x7e: {  	_ =	shalt  }
0x7f: {  	_ =	shalt  }
0x80: {  	_ =	shalt  }
0x81: {  	_ =	shalt  }
0x82: {  	_ =	shalt  }
0x83: {  	_ =	shalt  }
0x84: {  	_ =	shalt  }
0x85: {  	_ =	shalt  }
0x86: {  	_ =	shalt  }
0x87: {  	_ =	shalt  }
.Lfunc_end0:
.L_simem_size_0:
called_computation_lowered:
.L_overlay_start_0:
0x88: {  	s2 =	sld [smem:$0x3FD9]  }
0x89: {  	s3 =	sld [smem:$0x3FFE];
	_ =	sdelay $0x1  }
0x8a: {  	s1 =	srdreg.scid  }
0x8b: {  	s0 =	sand.u32 $0x1, s1  }
0x8c: {  	s17 =	sshll.u32 s0, $0xA;
	s2 =	sadd.s32 s3, s2  }
0x8d: {  	s2 =	sadd.s32 s2, s17  }
0x8e: {  	[smem:$0x3FBC] =	sst s2  }
0x8f: {  	_ = 	snop  }
0x90: {  	s2 =	sld [smem:$0x3FD0];
	(tm) =	ssettm $0x1  }
0x91: {  	s18 =	sld [smem:$0x3FFB];
	_ =	sdelay $0x3  }
0x92: {  	_ =	strace s18  }
0x93: {  	s3 =	sld [smem:$0x3FFC];
	_ =	sdelay $0x3  }
0x94: {  	_ =	strace s3  }
0x95: {  	s3 =	sld [smem:$0x3FFD];
	_ =	sdelay $0x3  }
0x96: {  	_ =	strace s3  }
0x97: {  	_ =	strace $0x8FFFFFFF  }
0x98: {  	s19 =	sld [smem:$0x3FDB];
	_ =	sdelay $0x1  }
0x99: {  	s4 =	simm.s32 $_scs_section_size  }
0x9a: {  	s5 =	simm.s32 $_size__tile_overlayer_lowered;
	s6 =	simm.s32 $_tile_overlayer_lowered  }
0x9b: {  	s22 =	simm.s32 $0x1BFF;
	s21 =	sshll.u32 s6, $0x1;
	s3 =	sadd.s32 s4, s19  }
0x9c: {  	s7 =	simm.s32 $0x0;
	s20 =	sshll.u32 s5, $0x1;
	s5 =	sadd.s32 s21, s3  }
0x9d: {  	[timem:s7], [sflag:s22] =	dma.local [hbm:s5], s20  }
0x9e: {  	_ =	swait.ge [sflag:s22], s20  }
0x9f: {  	s4 =	ssub.s32 $0x0, s20;
	[sflag:s22] =	ssyncset.done $0x0  }
0xa0: {  	[sflag:s22] =	ssyncadd.s32 s4;
	_ =	sdelay $0x1  }
0xa1: {  	s23 =	simm.s32 $0x1B8B  }
0xa2: {  	_ =	swait.ge [sflag:s23], $0x1  }
0xa3: {  	[sflag:s23] =	ssyncset.done $0x0  }
0xa4: {  	s25 =	simm.s32 $0x1B8E;
	s24 =	sld [smem:$0x3FFE];
	[sflag:s23] =	ssyncadd.s32 $0xFFFFFFFF  }
0xa5: {  	s26 =	simm.s32 $execute0_lowered;
	[smem:$0x3FD2] =	sst s25  }
0xa6: {  	s5 =	sshll.u32 s26, $0x1;
	_ =	strace $0x80000046;
	[dreg:$0x1] =	wrdreg $0xFFFFFFFF  }
0xa7: {  	s28 =	simm.s32 $_size_execute0_lowered;
	s3 =	sadd.s32 s3, s5;
	[dreg:$0x0] =	wrdreg $0x0  }
0xa8: {  	s5 =	sshll.u32 s28, $0x1;
	[dreg:$0x2] =	wrdreg s3  }
0xa9: {  	[dreg:$0x3] =	wrdreg s5  }
0xaa: {  	[dreg:$0x4] =	wrdreg $0xC0  }
0xab: {  	_ =	task [dreg:s7], $0x5FFFF  }
0xac: {  	[dreg:$0x1] =	wrdreg $0xFFFFFFFF  }
0xad: {  	[dreg:$0x0] =	wrdreg $0x60  }
0xae: {  	[dreg:$0x2] =	wrdreg s24  }
0xaf: {  	[dreg:$0x3] =	wrdreg s2  }
0xb0: {  	[dreg:$0x4] =	wrdreg $0x28800  }
0xb1: {  	[dreg:$0x5] =	wrdreg $0x9  }
0xb2: {  	_ =	task.clear_ibuf [dreg:s7], $0x6FFFF;
	_ =	strace $0x90000046  }
0xb3: {  	s29 =	simm.s32 $0x9;
	_ =	strace $0x80000048  }
0xb4: {  	_ =	swait.ge [sflag:s29], $0x1  }
0xb5: {  	[sflag:s29] =	ssyncadd.s32 $0xFFFFFFFF  }
0xb6: {  	_ =	strace $0x90000048  }
0xb7: {  	_ =	sfence  }
0xb8: {  	s30 =	sld [smem:$0x0];
	_ =	sdelay $0x2  }
0xb9: {  	s31 =	sshll.u32 s1, $0xD;
	s1 =	sshrl.u32 s1, $0x2  }
0xba: {  	s3 =	sand.u32 $0x4000, s31;
	s1 =	sadd.s32 s1, s30  }
0xbb: {  	s0 =	sor.u32 s3, s0;
	s1 =	sshll.u32 s1, $0x11  }
0xbc: {  	s0 =	sor.u32 s1, s0  }
0xbd: {  	s0 =	sadd.s32 $0x8F2B, s0  }
0xbe: {  	[sflag:s0] =	ssyncadd.remote.s32 $0x1  }
0xbf: {  	_ =	sfence.sel $0xFFFF  }
0xc0: {  	[dreg:$0x0] =	wrdreg $0xFFFFFFFF;
	(pc) =	sbr.abs _section_cstart, $3  }
0xc1: {  	[dreg:$0x1] =	wrdreg $0xFFFFFFFF  }
0xc2: {  	_ =	task.clear_ibuf [dreg:s7], $0x2FFFF;
	_ =	strace $0x9FFFFFFF  }
0xc3: {  	(tm) =	ssettm $0x7FFFFFFF  }
tec
execute0_lowered:
.L_overlay_start_1:
0x0: {  	(tag) =	ssettag $0x1  }
0x1: {  	s6 =	rddreg [dreg:$0x0]  }
0x2: {  	s2 =	rddreg [dreg:$0x1]  }
0x3: {  	s0 =	srdreg.scid;
	s3 =	rddreg [dreg:$0x2]  }
0x4: {  	s1 =	stileid.u32;
	s4 =	simm.s32 $0x0;
	s13 =	simm.s32 $0x80  }
0x5: {  	s14 =	simm.s32 $0x0;
	s5 =	sand.u32 $0x1, s0;
	s0 =	rddreg [dreg:$0x3]  }
0x6: {  	s8 =	smul.u32 $0x280, s1;
	[smem:$0x7FF] =	sst s4;
	s11 =	sshll.u32 s1, $0x6  }
0x7: {  	s7 =	sshll.u32 s5, $0x4;
	s9 =	smul.u32 $0x2800, s5;
	_ =	strace $0x80000047  }
0x8: {  	s10 =	ssub.s32 $0x2, s5;
	s5 =	sadd.s32 $0x17200, s6;
	s11 =	sor.u32 $0x1C01, s11  }
0x9: {  	s7 =	sor.u32 s1, s7;
	s31 =	sshrl.u32 s10, $0x1;
	s12 =	sadd.s32 s8, s3  }
0xa: {  	s7 =	smul.u32 $0x500, s7;
	s9 =	sadd.s32 s8, s9;
	s10 =	ssub.s32 s10, s31  }
0xb: {  	s12 =	sshrl.u32 s12, $0x3;
	s9 =	sshrl.u32 s9, $0x3;
	s8 =	smax.u32 s10, $0x1  }
0xc: {  	s10 =	simm.s32 $0x2800;
	s7 =	sadd.s32 s7, s6;
	s9 =	sadd.s32 s9, s6  }
0xd: {  	s6 =	sadd.s32 $0xD200, s7;
	s7 =	sadd.s32 $0x17400, s9;
	s9 =	simm.s32 $0x1  }
.LBB2_1:
0xe: {  	[tilespmem:s4], [sflag:$0x1] =	stream.linear.gather [hbm4b:s6+s4], $0x2800, $0x38;
	[tilespmem:$0x2B00] =	vst v63  }
0xf: {  	_ =	swait.ge [sflag:s9], $0x2800  }
0x10: {  	[sflag:s9] =	ssyncset.done $0x0  }
0x11: {  	[sflag:s9] =	ssyncadd.s32 $0xFFFFD800  }
0x12: {  	[tilespmem:s10], [sflag:$0x1] =	stream.linear.gather [hbm4b:s5+s4], $0x80, $0x38;
	[tilespmem:$0x2B00] =	vst v63  }
0x13: {  	_ =	swait.ge [sflag:s9], $0x80  }
0x14: {  	[sflag:s9] =	ssyncset.done $0x0  }
0x15: {  	[sflag:s9] =	ssyncadd.s32 $0xFFFFFF80  }
0x16: {  	[spmem:s12], [sflag:s11] =	dma.local [hbm:s2], $0x50  }
0x17: {  	_ =	swait.ge [sflag:s9], $0x50  }
0x18: {  	[sflag:s9] =	ssyncset.done $0x0  }
0x19: {  	[sflag:s9] =	ssyncadd.s32 $0xFFFFFFB0  }
0x1a: {  	s15 =	simm.s32 $0x0;
	[bflag:$0x0] =	sbarrier.arrive $0xFFFF  }
0x1b: {  	[spmem:s3] =	stream.indirect.scatter.add.f32 [tilespmem:s10], [sflag:$0x1], $0x1, s15, s13, $0xb8;
	[tilespmem:$0x2B00] =	vst v63  }
0x1c: {  	_ =	swait.ge [sflag:s9], $0x80  }
0x1d: {  	s15 =	simm.s32 $0x200;
	[sflag:s9] =	ssyncset.done $0x0  }
.LBB2_2:
0x1e: {  	s16 =	sshra.s32 s15, $0x2;
	[sflag:s9] =	ssyncadd.s32 $0xFFFFFF80;
	p0 =	sne.s32 s15, $0x9E00  }
0x1f: {  	[spmem:s3] =	stream.indirect.scatter.add.f32 [tilespmem:s10], [sflag:$0x1], $0x1, s16, s13, $0xb8;
	[tilespmem:$0x2B00] =	vst v63  }
.Ltmp0:
0x20: {  	_ = 	snop;
	(pc) =	sbr.rel @p0 .LBB2_2-.Ltmp0, $4  }
0x21: {  	_ = 	snop  }
0x22: {  	s15 =	sadd.s32 $0x200, s15  }
0x23: {  	_ =	swait.ge [sflag:s9], $0x80  }
0x24: {  	[sflag:s9] =	ssyncset.done $0x0  }
0x25: {  	s14 =	sadd.s32 $0x1, s14  }
0x26: {  	[sflag:s9] =	ssyncadd.s32 $0xFFFFFF80;
	p0 =	sne.s32 s14, s8  }
.Ltmp1:
0x27: {  	[bflag:$0x0] =	sbarrier.arrive $0xFFFF;
	(pc) =	sbr.rel @p0 .LBB2_1-.Ltmp1, $4  }
0x28: {  	[hbm:s7], [sflag:s11] =	dma.local [spmem:s12], $0x50  }
0x29: {  	_ =	swait.ge [sflag:s9], $0x50  }
0x2a: {  	[sflag:s9] =	ssyncset.done $0x0  }
0x2b: {  	[sflag:s9] =	ssyncadd.s32 $0xFFFFFFB0  }
0x2c: {  	_ =	sfence.sel $0x180000  }
0x2d: {  	[bflag:$0x0] =	sbarrier.arrive $0xFFFF  }
0x2e: {  	p0 =	sne.s32 s1, $0x0;
	_ =	strace $0x90000047  }
0x2f: {  	s0 =	sadd.s32 @!p0 $0x100000, s0;
	[bflag:$0x2] =	sbarrier.arrive $0xFFFF  }
0x30: {  	[sflag:s0] =	ssyncadd.tile.s32 @!p0 $0x1;
	_ =	shalt  }
.Lfunc_end2:
_tile_overlayer_lowered:
.L_overlay_start_2:
0x31: {  	(tag) =	ssettag $0x2  }
0x32: {  	s0 =	rddreg [dreg:$0x0];
	s2 =	stileid.u32  }
0x33: {  	s1 =	rddreg [dreg:$0x1];
	p0 =	sne.s32 s2, $0x0  }
0x34: {  	s3 =	rddreg [dreg:$0x2];
	[bflag:$0x3] =	sbarrier.arrive $0xFFFF;
	s2 =	simm.s32 @!p0 $0x1C01  }
0x35: {  	[timem:s3], [sflag:s2] =	dma.local @!p0 [hbm:s0], s1  }
0x36: {  	s0 =	simm.s32 @!p0 $0x1  }
0x37: {  	_ =	swait.ge @!p0 [sflag:s0], s1  }
0x38: {  	s1 =	ssub.s32 @!p0 $0x0, s1;
	[sflag:s0] =	ssyncset.done @!p0 $0x0  }
0x39: {  	[sflag:s0] =	ssyncadd.s32 @!p0 s1  }
0x3a: {  	[bflag:$0x3] =	sbarrier.arrive $0xFFFF  }
0x3b: {  	_ =	shalt  }

</sc_bundles>
